<compile_context>
chip_gen: v7x
topology: tpu7x:2x2x1
jax: 0.10.2.dev20260603
libtpu: 0.0.44.dev20260713+nightly
codegen_flags: <defaults>
</compile_context>

<pallas_src>
import functools

import jax
import jax.numpy as jnp
from jax import lax
from jax.experimental import pallas as pl
from jax.experimental.pallas import tpu as pltpu
from jax.experimental.pallas import tpu_sc as plsc

_N = 5000
_NP = 5120
_D = 256
_H = 4
_HP = 8
_SW = 16

_BD = 256
_BS = 512
_NI = _NP // _BD
_NJ = _NP // _BS


def _linear_body(x_ref, w_ref, a_ref, z_ref, s_ref):
    z = jnp.dot(x_ref[...], w_ref[...], preferred_element_type=jnp.float32)
    z_ref[...] = z
    s_ref[...] = jnp.dot(z, a_ref[...], preferred_element_type=jnp.float32)


def _fused_linear(x, w, a_ext):
    return pl.pallas_call(
        _linear_body,
        grid=(_NP // 512,),
        in_specs=[pl.BlockSpec((512, _D), lambda i: (i, 0)),
                  pl.BlockSpec((_D, _D), lambda i: (0, 0)),
                  pl.BlockSpec((_D, _SW), lambda i: (0, 0))],
        out_specs=[pl.BlockSpec((512, _D), lambda i: (i, 0)),
                   pl.BlockSpec((512, _SW), lambda i: (i, 0))],
        out_shape=[jax.ShapeDtypeStruct((_NP, _D), jnp.float32),
                   jax.ShapeDtypeStruct((_NP, _SW), jnp.float32)],
    )(x, w, a_ext)


def _flash_body(c_ref, sd_ref, ss_ref, z_ref, o_ref, m_ref, den_ref, acc_ref):
    j = pl.program_id(1)

    @pl.when(j == 0)
    def _():
        m_ref[...] = jnp.full((_BD, _HP), -jnp.inf, jnp.float32)
        den_ref[...] = jnp.zeros((_BD, _HP), jnp.float32)
        acc_ref[...] = jnp.zeros((_BD, _H * _D), jnp.float32)

    c = c_ref[...]
    mask = c > 0.0
    sd = sd_ref[...]
    ss = ss_ref[...]
    zb = z_ref[...].astype(jnp.bfloat16)
    m_old = m_ref[...]
    den_old = den_ref[...]

    m_cols, den_cols = [], []
    for h in range(_H):
        e = sd[:, h:h + 1] + ss[h:h + 1, :]
        e = jnp.where(e >= 0.0, e, 0.01 * e)
        e = jnp.where(mask, e, -jnp.inf)
        bm = jnp.max(e, axis=1, keepdims=True)
        mo = m_old[:, h:h + 1]
        mn = jnp.maximum(mo, bm)
        mns = jnp.where(jnp.isfinite(mn), mn, 0.0)
        p = jnp.where(mask, c * jnp.exp(e - mns), 0.0)
        scale = jnp.exp(mo - mns)
        den_cols.append(den_old[:, h:h + 1] * scale
                        + jnp.sum(p, axis=1, keepdims=True))
        acc_ref[:, h * _D:(h + 1) * _D] = (
            acc_ref[:, h * _D:(h + 1) * _D] * scale
            + jnp.dot(p.astype(jnp.bfloat16), zb,
                      preferred_element_type=jnp.float32))
        m_cols.append(mn)
    m_ref[...] = jnp.concatenate(m_cols + [m_old[:, _H:]], axis=1)
    den_ref[...] = jnp.concatenate(den_cols + [den_old[:, _H:]], axis=1)

    @pl.when(j == _NJ - 1)
    def _():
        den = den_ref[...]
        for h in range(_H):
            o = acc_ref[:, h * _D:(h + 1) * _D] / (den[:, h:h + 1] + 1e-9)
            o_ref[:, h * _D:(h + 1) * _D] = jnp.where(
                o > 0.0, o, jnp.exp(o) - 1.0)


def _flash(c, sd, ss, z):
    return pl.pallas_call(
        _flash_body,
        grid=(_NI, _NJ),
        in_specs=[
            pl.BlockSpec((_BD, _BS), lambda i, j: (i, j)),
            pl.BlockSpec((_BD, _HP), lambda i, j: (i, 0)),
            pl.BlockSpec((_HP, _BS), lambda i, j: (0, j)),
            pl.BlockSpec((_BS, _D), lambda i, j: (j, 0)),
        ],
        out_specs=pl.BlockSpec((_BD, _H * _D), lambda i, j: (i, 0)),
        out_shape=jax.ShapeDtypeStruct((_NP, _H * _D), jnp.float32),
        scratch_shapes=[
            pltpu.VMEM((_BD, _HP), jnp.float32),
            pltpu.VMEM((_BD, _HP), jnp.float32),
            pltpu.VMEM((_BD, _H * _D), jnp.float32),
        ],
        compiler_params=pltpu.CompilerParams(
            dimension_semantics=("parallel", "arbitrary")),
    )(c, sd, ss, z)


def _make_counts(np_, e, wrows, interpret=False):
    ncores, ntecs, nl = 2, 16, 16
    ept = e // ntecs
    nch = -(-ept // 128)
    ept_pad = nch * 128
    depth = 16
    nch_pad = -(-nch // depth) * depth
    win = wrows * np_
    tslice = win // ntecs
    nr = np_ // (ncores * wrows)
    cmat = np_ * np_
    mesh = plsc.VectorSubcoreMesh(core_axis_name="c", subcore_axis_name="s",
                                  num_cores=ncores, num_subcores=ntecs)

    @functools.partial(
        pl.kernel, mesh=mesh,
        out_type=jax.ShapeDtypeStruct((2 * cmat,), jnp.float32),
        scratch_types=[
            pltpu.VMEM((2 * ept_pad,), jnp.int32),
            pltpu.VMEM((128,), jnp.float32),
            pltpu.VMEM((nch_pad, 128), jnp.int32),
            pltpu.VMEM_SHARED((win + 8192,), jnp.float32),
            pltpu.SemaphoreType.DMA,
        ],
        interpret=interpret,
    )
    def counts(offs_hbm, zeros_hbm, ones_hbm, out_hbm,
               edges_v, ones_v, idx_v, window, sem):
        c = lax.axis_index("c")
        t = lax.axis_index("s")
        pltpu.sync_copy(offs_hbm.at[pl.ds(t * ept_pad, ept_pad)],
                        edges_v.at[pl.ds(0, ept_pad)])
        pltpu.sync_copy(offs_hbm.at[pl.ds((ntecs + t) * ept_pad, ept_pad)],
                        edges_v.at[pl.ds(ept_pad, ept_pad)])
        pltpu.sync_copy(ones_hbm, ones_v)

        def _dump(j, l):
            return (win + lax.iota(jnp.int32, nl) * 8 + l * 128
                    + (j % 8) * 1024)

        for j in range(nch, nch_pad):
            for l in range(128 // nl):
                idx_v[j, pl.ds(l * nl, nl)] = _dump(j, l)

        def round_body(r, carry):
            d = r // nr
            rr = r % nr
            base = (rr * (ncores * wrows) + c * wrows) * np_
            pltpu.sync_copy(zeros_hbm, window.at[pl.ds(t * tslice, tslice)])
            plsc.subcore_barrier()

            def chunk_body(j, carry2):
                for l in range(128 // nl):
                    v = edges_v[pl.ds(d * ept_pad + j * 128 + l * nl, nl)]
                    local = v - base
                    m = (local >= 0) & (local < win)
                    idx_v[j, pl.ds(l * nl, nl)] = jnp.where(m, local, _dump(j, l))
                return carry2
            lax.fori_loop(0, nch, chunk_body, 0)

            def scat_body(g, carry2):
                descs = [pltpu.async_copy(ones_v, window.at[idx_v.at[g * depth + u]],
                                          sem, add=True)
                         for u in range(depth)]
                for desc in descs:
                    desc.wait()
                return carry2
            lax.fori_loop(0, nch_pad // depth, scat_body, 0)
            plsc.subcore_barrier()
            out_off = d * cmat + base + t * tslice
            pltpu.sync_copy(window.at[pl.ds(t * tslice, tslice)],
                            out_hbm.at[pl.ds(out_off, tslice)])
            return carry
        lax.fori_loop(0, 2 * nr, round_body, 0)

    def run(offs):
        offs_pad = jnp.full((2, ntecs, ept_pad), 2 ** 30, jnp.int32)
        offs_pad = offs_pad.at[:, :, :ept].set(offs.reshape(2, ntecs, ept))
        zeros = jnp.zeros((tslice,), jnp.float32)
        ones = jnp.ones((128,), jnp.float32)
        return counts(offs_pad.reshape(-1), zeros, ones).reshape(2, np_, np_)

    return run


@functools.lru_cache(maxsize=1)
def _counts_full():
    return _make_counts(_NP, 160000, 256)


def kernel(u2i, i2u, x_user, x_item, w_user, w_item,
           a_src_u, a_dst_u, a_src_i, a_dst_i):
    f32 = jnp.float32
    au_ext = jnp.concatenate(
        [a_src_i.T, a_dst_u.T, jnp.zeros((_D, _SW - 2 * _H), f32)], axis=1)
    ai_ext = jnp.concatenate(
        [a_src_u.T, a_dst_i.T, jnp.zeros((_D, _SW - 2 * _H), f32)], axis=1)
    xu = jnp.zeros((_NP, _D), f32).at[:_N].set(x_user)
    xi = jnp.zeros((_NP, _D), f32).at[:_N].set(x_item)
    z_user, s_u = _fused_linear(xu, w_user, au_ext)
    z_item, s_i = _fused_linear(xi, w_item, ai_ext)

    offs = jnp.concatenate([u2i[1] * _NP + u2i[0],
                            i2u[1] * _NP + i2u[0]]).astype(jnp.int32)
    cmats = _counts_full()(offs)
    c_u2i, c_i2u = cmats[0], cmats[1]

    h_item = _flash(c_u2i, s_i[:, _H:_H + _HP], s_u[:, :_HP].T, z_user)[:_N]
    h_user = _flash(c_i2u, s_u[:, _H:_H + _HP], s_i[:, :_HP].T, z_item)[:_N]
    return (h_user, h_item)

# --- scband reference (transcript-rebuilt; emitter-appended) ---
"""Pipeline reference for scband-gat-41205916238263 (READ-ONLY COPY).

The authoritative reference and input builder live on the scoring server;
editing this copy changes nothing except your own understanding.
"""

import jax, jax.numpy as jnp
import numpy as np

N_USERS = 5000
N_ITEMS = 5000
E = 160000
D = 256
H = 4


def setup_inputs(seed: int = 0):
    key = jax.random.key(seed)
    ks = jax.random.split(key, 12)
    x_user = jax.random.normal(ks[0], (N_USERS, D), dtype=jnp.float32)
    x_item = jax.random.normal(ks[1], (N_ITEMS, D), dtype=jnp.float32)
    u2i = jnp.stack([jax.random.randint(ks[2], (E,), 0, N_USERS),
                     jax.random.randint(ks[3], (E,), 0, N_ITEMS)])
    i2u = jnp.stack([jax.random.randint(ks[4], (E,), 0, N_ITEMS),
                     jax.random.randint(ks[5], (E,), 0, N_USERS)])
    # learned params (torch init: th.rand -> uniform [0,1))
    w_user = jax.random.uniform(ks[6], (D, D), dtype=jnp.float32)
    w_item = jax.random.uniform(ks[7], (D, D), dtype=jnp.float32)
    a_src_u = jax.random.uniform(ks[8], (H, D), dtype=jnp.float32)
    a_dst_u = jax.random.uniform(ks[9], (H, D), dtype=jnp.float32)
    a_src_i = jax.random.uniform(ks[10], (H, D), dtype=jnp.float32)
    a_dst_i = jax.random.uniform(ks[11], (H, D), dtype=jnp.float32)
    return {"u2i": u2i, "i2u": i2u, "x_user": x_user, "x_item": x_item,
            "w_user": w_user, "w_item": w_item,
            "a_src_u": a_src_u, "a_dst_u": a_dst_u,
            "a_src_i": a_src_i, "a_dst_i": a_dst_i}


def _head_agg(z_src, z_dst, src, dst, a_src_h, a_dst_h, n_dst):
    hs = z_src[src]                       # gather [E, D]
    hd = z_dst[dst]                       # gather [E, D]
    e = jax.nn.leaky_relu(hs @ a_src_h + hd @ a_dst_h)  # Attention.forward
    m = jax.ops.segment_max(e, dst, num_segments=n_dst)
    m = jnp.where(jnp.isfinite(m), m, 0.0)
    m = jax.lax.stop_gradient(m)
    ex = jnp.exp(e - m[dst])
    den = jax.ops.segment_sum(ex, dst, num_segments=n_dst)
    alpha = ex / (den[dst] + 1e-9)        # edge softmax over incoming edges
    return jax.ops.segment_sum(alpha[:, None] * hs, dst, num_segments=n_dst)


def _multi_head(z_src, z_dst, edges, a_src, a_dst, n_dst):
    src, dst = edges[0], edges[1]
    outs = [_head_agg(z_src, z_dst, src, dst, a_src[h], a_dst[h], n_dst) for h in range(H)]
    return jnp.concatenate(outs, axis=1)  # merge = concatenate (layer i=0 < len(n_feats)-1)


def reference(u2i, i2u, x_user, x_item, w_user, w_item, a_src_u, a_dst_u, a_src_i, a_dst_i):
    z_user = x_user @ w_user              # b_user = 0
    z_item = x_item @ w_item              # b_item = 0
    # item update from user->item edges via item_att_heads
    h_item = jax.nn.elu(_multi_head(z_user, z_item, u2i, a_src_i, a_dst_i, N_ITEMS))
    # user update from item->user edges via user_att_heads
    h_user = jax.nn.elu(_multi_head(z_item, z_user, i2u, a_src_u, a_dst_u, N_USERS))
    return (h_user, h_item)

if __name__ == "__main__":
    import jax
    _d = setup_inputs()
    print(jax.jit(kernel)(*tuple(_d.values())))

</pallas_src>

<mosaic_0001>
#map = affine_map<(d0, d1) -> (0)>
module attributes {stable_mosaic.version = 14 : i64} {
  func.func @counts(%arg0: i32, %arg1: i32, %arg2: memref<323584xi32, #tpu.memory_space<hbm>>, %arg3: memref<81920xf32, #tpu.memory_space<hbm>>, %arg4: memref<128xf32, #tpu.memory_space<hbm>>, %arg5: memref<52428800xf32, #tpu.memory_space<hbm>>, %arg6: memref<20224xi32, #tpu.memory_space<vmem>>, %arg7: memref<128xf32, #tpu.memory_space<vmem>>, %arg8: memref<80x128xi32, #tpu.memory_space<vmem>>, %arg9: memref<1318912xf32, #tpu.memory_space<vmem_shared>>, %arg10: memref<!tpu.dma_semaphore, #tpu.memory_space<semaphore_mem>>) attributes {dimension_semantics = [#tpu.dimension_semantics<core_parallel>, #tpu.dimension_semantics<subcore_parallel>], iteration_bounds = array<i64: 2, 16>, scalar_prefetch = 0 : i64, scratch_operands = 5 : i64, tpu.core_type = #tpu.core_type<sc_vector_subcore>, window_params = [{transform_indices = #map}, {transform_indices = #map}, {transform_indices = #map}, {transform_indices = #map}]} {
    %mul3A = arith.constant 10112 : i32
    %mul3A_0 = arith.muli %arg1, %mul3A : i32
    "tpu.region"() ({
      %run_scoped3A = tpu.sem_alloc : memref<!tpu.dma_semaphore, #tpu.memory_space<semaphore_mem>>
      %dma_start3A = arith.constant 0 : i32
      %dma_start3A_159 = tpu.memref_slice %arg6[%dma_start3A] : memref<20224xi32, #tpu.memory_space<vmem>> -> memref<10112xi32, #tpu.memory_space<vmem>>
      %dma_start3A_160 = tpu.memref_slice %arg2[%mul3A_0] : memref<323584xi32, #tpu.memory_space<hbm>> -> memref<10112xi32, #tpu.memory_space<hbm>>
      %dma_start3A_161 = arith.constant 0 : i32
      %dma_start3A_162 = tpu.memref_slice %arg6[%dma_start3A_161] : memref<20224xi32, #tpu.memory_space<vmem>> -> memref<10112xi32, #tpu.memory_space<vmem>>
      %dma_start3A_163 = tpu.memref_slice %arg2[%mul3A_0] : memref<323584xi32, #tpu.memory_space<hbm>> -> memref<10112xi32, #tpu.memory_space<hbm>>
      tpu.enqueue_dma source(%dma_start3A_163 : memref<10112xi32, #tpu.memory_space<hbm>>) target(%dma_start3A_162 : memref<10112xi32, #tpu.memory_space<vmem>>) target_semaphore(%run_scoped3A : memref<!tpu.dma_semaphore, #tpu.memory_space<semaphore_mem>>)
      %dma_wait3A = arith.constant 0 : i32
      %dma_wait3A_164 = tpu.memref_slice %arg6[%dma_wait3A] : memref<20224xi32, #tpu.memory_space<vmem>> -> memref<10112xi32, #tpu.memory_space<vmem>>
      %dma_wait3A_165 = tpu.memref_slice %arg2[%mul3A_0] : memref<323584xi32, #tpu.memory_space<hbm>> -> memref<10112xi32, #tpu.memory_space<hbm>>
      %dma_wait3A_166 = arith.constant 0 : i32
      %dma_wait3A_167 = tpu.memref_slice %arg6[%dma_wait3A_166] : memref<20224xi32, #tpu.memory_space<vmem>> -> memref<10112xi32, #tpu.memory_space<vmem>>
      %dma_wait3A_168 = tpu.memref_slice %arg2[%mul3A_0] : memref<323584xi32, #tpu.memory_space<hbm>> -> memref<10112xi32, #tpu.memory_space<hbm>>
      tpu.wait_dma2 semaphore(%run_scoped3A : memref<!tpu.dma_semaphore, #tpu.memory_space<semaphore_mem>>) src(%dma_wait3A_168 : memref<10112xi32, #tpu.memory_space<hbm>>) dst(%dma_wait3A_167 : memref<10112xi32, #tpu.memory_space<vmem>>)
      tpu.yield
    }) : () -> ()
    %add3A = arith.constant 16 : i32
    %add3A_1 = arith.addi %add3A, %arg1 : i32
    %mul3A_2 = arith.constant 10112 : i32
    %mul3A_3 = arith.muli %add3A_1, %mul3A_2 : i32
    "tpu.region"() ({
      %run_scoped3A = tpu.sem_alloc : memref<!tpu.dma_semaphore, #tpu.memory_space<semaphore_mem>>
      %dma_start3A = arith.constant 10112 : i32
      %dma_start3A_159 = tpu.memref_slice %arg6[%dma_start3A] : memref<20224xi32, #tpu.memory_space<vmem>> -> memref<10112xi32, #tpu.memory_space<vmem>>
      %dma_start3A_160 = tpu.memref_slice %arg2[%mul3A_3] : memref<323584xi32, #tpu.memory_space<hbm>> -> memref<10112xi32, #tpu.memory_space<hbm>>
      %dma_start3A_161 = arith.constant 10112 : i32
      %dma_start3A_162 = tpu.memref_slice %arg6[%dma_start3A_161] : memref<20224xi32, #tpu.memory_space<vmem>> -> memref<10112xi32, #tpu.memory_space<vmem>>
      %dma_start3A_163 = tpu.memref_slice %arg2[%mul3A_3] : memref<323584xi32, #tpu.memory_space<hbm>> -> memref<10112xi32, #tpu.memory_space<hbm>>
      tpu.enqueue_dma source(%dma_start3A_163 : memref<10112xi32, #tpu.memory_space<hbm>>) target(%dma_start3A_162 : memref<10112xi32, #tpu.memory_space<vmem>>) target_semaphore(%run_scoped3A : memref<!tpu.dma_semaphore, #tpu.memory_space<semaphore_mem>>)
      %dma_wait3A = arith.constant 10112 : i32
      %dma_wait3A_164 = tpu.memref_slice %arg6[%dma_wait3A] : memref<20224xi32, #tpu.memory_space<vmem>> -> memref<10112xi32, #tpu.memory_space<vmem>>
      %dma_wait3A_165 = tpu.memref_slice %arg2[%mul3A_3] : memref<323584xi32, #tpu.memory_space<hbm>> -> memref<10112xi32, #tpu.memory_space<hbm>>
      %dma_wait3A_166 = arith.constant 10112 : i32
      %dma_wait3A_167 = tpu.memref_slice %arg6[%dma_wait3A_166] : memref<20224xi32, #tpu.memory_space<vmem>> -> memref<10112xi32, #tpu.memory_space<vmem>>
      %dma_wait3A_168 = tpu.memref_slice %arg2[%mul3A_3] : memref<323584xi32, #tpu.memory_space<hbm>> -> memref<10112xi32, #tpu.memory_space<hbm>>
      tpu.wait_dma2 semaphore(%run_scoped3A : memref<!tpu.dma_semaphore, #tpu.memory_space<semaphore_mem>>) src(%dma_wait3A_168 : memref<10112xi32, #tpu.memory_space<hbm>>) dst(%dma_wait3A_167 : memref<10112xi32, #tpu.memory_space<vmem>>)
      tpu.yield
    }) : () -> ()
    "tpu.region"() ({
      %run_scoped3A = tpu.sem_alloc : memref<!tpu.dma_semaphore, #tpu.memory_space<semaphore_mem>>
      tpu.enqueue_dma source(%arg4 : memref<128xf32, #tpu.memory_space<hbm>>) target(%arg7 : memref<128xf32, #tpu.memory_space<vmem>>) target_semaphore(%run_scoped3A : memref<!tpu.dma_semaphore, #tpu.memory_space<semaphore_mem>>)
      tpu.wait_dma2 semaphore(%run_scoped3A : memref<!tpu.dma_semaphore, #tpu.memory_space<semaphore_mem>>) src(%arg4 : memref<128xf32, #tpu.memory_space<hbm>>) dst(%arg7 : memref<128xf32, #tpu.memory_space<vmem>>)
      tpu.yield
    }) : () -> ()
    %iota3A = tpu.iota {dimensions = array<i32: 0>} : vector<16xi32>
    %mul3A_4 = arith.constant 8 : i32
    %mul3A_5 = vector.broadcast %mul3A_4 : i32 to vector<16xi32>
    %mul3A_6 = arith.muli %iota3A, %mul3A_5 : vector<16xi32>
    %add3A_7 = arith.constant 1310720 : i32
    %add3A_8 = vector.broadcast %add3A_7 : i32 to vector<16xi32>
    %add3A_9 = arith.addi %add3A_8, %mul3A_6 : vector<16xi32>
    %add3A_10 = arith.constant 0 : i32
    %add3A_11 = vector.broadcast %add3A_10 : i32 to vector<16xi32>
    %add3A_12 = arith.addi %add3A_9, %add3A_11 : vector<16xi32>
    %add3A_13 = arith.constant 7168 : i32
    %add3A_14 = vector.broadcast %add3A_13 : i32 to vector<16xi32>
    %add3A_15 = arith.addi %add3A_12, %add3A_14 : vector<16xi32>
    %swap3A = arith.constant 79 : i32
    %swap3A_16 = arith.index_cast %swap3A : i32 to index
    %swap3A_17 = arith.constant 0 : index
    %swap3A_18 = tpu.vector_load %arg8[%swap3A_16, %swap3A_17] {strides = array<i32>} : memref<80x128xi32, #tpu.memory_space<vmem>>, vector<1x16xi32>,
    %swap3A_19 = vector.shape_cast %swap3A_18 : vector<1x16xi32> to vector<16xi32>
    %swap3A_20 = vector.shape_cast %add3A_15 : vector<16xi32> to vector<1x16xi32>
    tpu.vector_store %arg8[%swap3A_16, %swap3A_17], %swap3A_20 {strides = array<i32>} : memref<80x128xi32, #tpu.memory_space<vmem>>, vector<1x16xi32>,
    %iota3A_21 = tpu.iota {dimensions = array<i32: 0>} : vector<16xi32>
    %mul3A_22 = arith.constant 8 : i32
    %mul3A_23 = vector.broadcast %mul3A_22 : i32 to vector<16xi32>
    %mul3A_24 = arith.muli %iota3A_21, %mul3A_23 : vector<16xi32>
    %add3A_25 = arith.constant 1310720 : i32
    %add3A_26 = vector.broadcast %add3A_25 : i32 to vector<16xi32>
    %add3A_27 = arith.addi %add3A_26, %mul3A_24 : vector<16xi32>
    %add3A_28 = arith.constant 128 : i32
    %add3A_29 = vector.broadcast %add3A_28 : i32 to vector<16xi32>
    %add3A_30 = arith.addi %add3A_27, %add3A_29 : vector<16xi32>
    %add3A_31 = arith.constant 7168 : i32
    %add3A_32 = vector.broadcast %add3A_31 : i32 to vector<16xi32>
    %add3A_33 = arith.addi %add3A_30, %add3A_32 : vector<16xi32>
    %swap3A_34 = arith.constant 79 : i32
    %swap3A_35 = arith.index_cast %swap3A_34 : i32 to index
    %swap3A_36 = arith.constant 16 : index
    %swap3A_37 = tpu.vector_load %arg8[%swap3A_35, %swap3A_36] {strides = array<i32>} : memref<80x128xi32, #tpu.memory_space<vmem>>, vector<1x16xi32>,
    %swap3A_38 = vector.shape_cast %swap3A_37 : vector<1x16xi32> to vector<16xi32>
    %swap3A_39 = vector.shape_cast %add3A_33 : vector<16xi32> to vector<1x16xi32>
    tpu.vector_store %arg8[%swap3A_35, %swap3A_36], %swap3A_39 {strides = array<i32>} : memref<80x128xi32, #tpu.memory_space<vmem>>, vector<1x16xi32>,
    %iota3A_40 = tpu.iota {dimensions = array<i32: 0>} : vector<16xi32>
    %mul3A_41 = arith.constant 8 : i32
    %mul3A_42 = vector.broadcast %mul3A_41 : i32 to vector<16xi32>
    %mul3A_43 = arith.muli %iota3A_40, %mul3A_42 : vector<16xi32>
    %add3A_44 = arith.constant 1310720 : i32
    %add3A_45 = vector.broadcast %add3A_44 : i32 to vector<16xi32>
    %add3A_46 = arith.addi %add3A_45, %mul3A_43 : vector<16xi32>
    %add3A_47 = arith.constant 256 : i32
    %add3A_48 = vector.broadcast %add3A_47 : i32 to vector<16xi32>
    %add3A_49 = arith.addi %add3A_46, %add3A_48 : vector<16xi32>
    %add3A_50 = arith.constant 7168 : i32
    %add3A_51 = vector.broadcast %add3A_50 : i32 to vector<16xi32>
    %add3A_52 = arith.addi %add3A_49, %add3A_51 : vector<16xi32>
    %swap3A_53 = arith.constant 79 : i32
    %swap3A_54 = arith.index_cast %swap3A_53 : i32 to index
    %swap3A_55 = arith.constant 32 : index
    %swap3A_56 = tpu.vector_load %arg8[%swap3A_54, %swap3A_55] {strides = array<i32>} : memref<80x128xi32, #tpu.memory_space<vmem>>, vector<1x16xi32>,
    %swap3A_57 = vector.shape_cast %swap3A_56 : vector<1x16xi32> to vector<16xi32>
    %swap3A_58 = vector.shape_cast %add3A_52 : vector<16xi32> to vector<1x16xi32>
    tpu.vector_store %arg8[%swap3A_54, %swap3A_55], %swap3A_58 {strides = array<i32>} : memref<80x128xi32, #tpu.memory_space<vmem>>, vector<1x16xi32>,
    %iota3A_59 = tpu.iota {dimensions = array<i32: 0>} : vector<16xi32>
    %mul3A_60 = arith.constant 8 : i32
    %mul3A_61 = vector.broadcast %mul3A_60 : i32 to vector<16xi32>
    %mul3A_62 = arith.muli %iota3A_59, %mul3A_61 : vector<16xi32>
    %add3A_63 = arith.constant 1310720 : i32
    %add3A_64 = vector.broadcast %add3A_63 : i32 to vector<16xi32>
    %add3A_65 = arith.addi %add3A_64, %mul3A_62 : vector<16xi32>
    %add3A_66 = arith.constant 384 : i32
    %add3A_67 = vector.broadcast %add3A_66 : i32 to vector<16xi32>
    %add3A_68 = arith.addi %add3A_65, %add3A_67 : vector<16xi32>
    %add3A_69 = arith.constant 7168 : i32
    %add3A_70 = vector.broadcast %add3A_69 : i32 to vector<16xi32>
    %add3A_71 = arith.addi %add3A_68, %add3A_70 : vector<16xi32>
    %swap3A_72 = arith.constant 79 : i32
    %swap3A_73 = arith.index_cast %swap3A_72 : i32 to index
    %swap3A_74 = arith.constant 48 : index
    %swap3A_75 = tpu.vector_load %arg8[%swap3A_73, %swap3A_74] {strides = array<i32>} : memref<80x128xi32, #tpu.memory_space<vmem>>, vector<1x16xi32>,
    %swap3A_76 = vector.shape_cast %swap3A_75 : vector<1x16xi32> to vector<16xi32>
    %swap3A_77 = vector.shape_cast %add3A_71 : vector<16xi32> to vector<1x16xi32>
    tpu.vector_store %arg8[%swap3A_73, %swap3A_74], %swap3A_77 {strides = array<i32>} : memref<80x128xi32, #tpu.memory_space<vmem>>, vector<1x16xi32>,
    %iota3A_78 = tpu.iota {dimensions = array<i32: 0>} : vector<16xi32>
    %mul3A_79 = arith.constant 8 : i32
    %mul3A_80 = vector.broadcast %mul3A_79 : i32 to vector<16xi32>
    %mul3A_81 = arith.muli %iota3A_78, %mul3A_80 : vector<16xi32>
    %add3A_82 = arith.constant 1310720 : i32
    %add3A_83 = vector.broadcast %add3A_82 : i32 to vector<16xi32>
    %add3A_84 = arith.addi %add3A_83, %mul3A_81 : vector<16xi32>
    %add3A_85 = arith.constant 512 : i32
    %add3A_86 = vector.broadcast %add3A_85 : i32 to vector<16xi32>
    %add3A_87 = arith.addi %add3A_84, %add3A_86 : vector<16xi32>
    %add3A_88 = arith.constant 7168 : i32
    %add3A_89 = vector.broadcast %add3A_88 : i32 to vector<16xi32>
    %add3A_90 = arith.addi %add3A_87, %add3A_89 : vector<16xi32>
    %swap3A_91 = arith.constant 79 : i32
    %swap3A_92 = arith.index_cast %swap3A_91 : i32 to index
    %swap3A_93 = arith.constant 64 : index
    %swap3A_94 = tpu.vector_load %arg8[%swap3A_92, %swap3A_93] {strides = array<i32>} : memref<80x128xi32, #tpu.memory_space<vmem>>, vector<1x16xi32>,
    %swap3A_95 = vector.shape_cast %swap3A_94 : vector<1x16xi32> to vector<16xi32>
    %swap3A_96 = vector.shape_cast %add3A_90 : vector<16xi32> to vector<1x16xi32>
    tpu.vector_store %arg8[%swap3A_92, %swap3A_93], %swap3A_96 {strides = array<i32>} : memref<80x128xi32, #tpu.memory_space<vmem>>, vector<1x16xi32>,
    %iota3A_97 = tpu.iota {dimensions = array<i32: 0>} : vector<16xi32>
    %mul3A_98 = arith.constant 8 : i32
    %mul3A_99 = vector.broadcast %mul3A_98 : i32 to vector<16xi32>
    %mul3A_100 = arith.muli %iota3A_97, %mul3A_99 : vector<16xi32>
    %add3A_101 = arith.constant 1310720 : i32
    %add3A_102 = vector.broadcast %add3A_101 : i32 to vector<16xi32>
    %add3A_103 = arith.addi %add3A_102, %mul3A_100 : vector<16xi32>
    %add3A_104 = arith.constant 640 : i32
    %add3A_105 = vector.broadcast %add3A_104 : i32 to vector<16xi32>
    %add3A_106 = arith.addi %add3A_103, %add3A_105 : vector<16xi32>
    %add3A_107 = arith.constant 7168 : i32
    %add3A_108 = vector.broadcast %add3A_107 : i32 to vector<16xi32>
    %add3A_109 = arith.addi %add3A_106, %add3A_108 : vector<16xi32>
    %swap3A_110 = arith.constant 79 : i32
    %swap3A_111 = arith.index_cast %swap3A_110 : i32 to index
    %swap3A_112 = arith.constant 80 : index
    %swap3A_113 = tpu.vector_load %arg8[%swap3A_111, %swap3A_112] {strides = array<i32>} : memref<80x128xi32, #tpu.memory_space<vmem>>, vector<1x16xi32>,
    %swap3A_114 = vector.shape_cast %swap3A_113 : vector<1x16xi32> to vector<16xi32>
    %swap3A_115 = vector.shape_cast %add3A_109 : vector<16xi32> to vector<1x16xi32>
    tpu.vector_store %arg8[%swap3A_111, %swap3A_112], %swap3A_115 {strides = array<i32>} : memref<80x128xi32, #tpu.memory_space<vmem>>, vector<1x16xi32>,
    %iota3A_116 = tpu.iota {dimensions = array<i32: 0>} : vector<16xi32>
    %mul3A_117 = arith.constant 8 : i32
    %mul3A_118 = vector.broadcast %mul3A_117 : i32 to vector<16xi32>
    %mul3A_119 = arith.muli %iota3A_116, %mul3A_118 : vector<16xi32>
    %add3A_120 = arith.constant 1310720 : i32
    %add3A_121 = vector.broadcast %add3A_120 : i32 to vector<16xi32>
    %add3A_122 = arith.addi %add3A_121, %mul3A_119 : vector<16xi32>
    %add3A_123 = arith.constant 768 : i32
    %add3A_124 = vector.broadcast %add3A_123 : i32 to vector<16xi32>
    %add3A_125 = arith.addi %add3A_122, %add3A_124 : vector<16xi32>
    %add3A_126 = arith.constant 7168 : i32
    %add3A_127 = vector.broadcast %add3A_126 : i32 to vector<16xi32>
    %add3A_128 = arith.addi %add3A_125, %add3A_127 : vector<16xi32>
    %swap3A_129 = arith.constant 79 : i32
    %swap3A_130 = arith.index_cast %swap3A_129 : i32 to index
    %swap3A_131 = arith.constant 96 : index
    %swap3A_132 = tpu.vector_load %arg8[%swap3A_130, %swap3A_131] {strides = array<i32>} : memref<80x128xi32, #tpu.memory_space<vmem>>, vector<1x16xi32>,
    %swap3A_133 = vector.shape_cast %swap3A_132 : vector<1x16xi32> to vector<16xi32>
    %swap3A_134 = vector.shape_cast %add3A_128 : vector<16xi32> to vector<1x16xi32>
    tpu.vector_store %arg8[%swap3A_130, %swap3A_131], %swap3A_134 {strides = array<i32>} : memref<80x128xi32, #tpu.memory_space<vmem>>, vector<1x16xi32>,
    %iota3A_135 = tpu.iota {dimensions = array<i32: 0>} : vector<16xi32>
    %mul3A_136 = arith.constant 8 : i32
    %mul3A_137 = vector.broadcast %mul3A_136 : i32 to vector<16xi32>
    %mul3A_138 = arith.muli %iota3A_135, %mul3A_137 : vector<16xi32>
    %add3A_139 = arith.constant 1310720 : i32
    %add3A_140 = vector.broadcast %add3A_139 : i32 to vector<16xi32>
    %add3A_141 = arith.addi %add3A_140, %mul3A_138 : vector<16xi32>
    %add3A_142 = arith.constant 896 : i32
    %add3A_143 = vector.broadcast %add3A_142 : i32 to vector<16xi32>
    %add3A_144 = arith.addi %add3A_141, %add3A_143 : vector<16xi32>
    %add3A_145 = arith.constant 7168 : i32
    %add3A_146 = vector.broadcast %add3A_145 : i32 to vector<16xi32>
    %add3A_147 = arith.addi %add3A_144, %add3A_146 : vector<16xi32>
    %swap3A_148 = arith.constant 79 : i32
    %swap3A_149 = arith.index_cast %swap3A_148 : i32 to index
    %swap3A_150 = arith.constant 112 : index
    %swap3A_151 = tpu.vector_load %arg8[%swap3A_149, %swap3A_150] {strides = array<i32>} : memref<80x128xi32, #tpu.memory_space<vmem>>, vector<1x16xi32>,
    %swap3A_152 = vector.shape_cast %swap3A_151 : vector<1x16xi32> to vector<16xi32>
    %swap3A_153 = vector.shape_cast %add3A_147 : vector<16xi32> to vector<1x16xi32>
    tpu.vector_store %arg8[%swap3A_149, %swap3A_150], %swap3A_153 {strides = array<i32>} : memref<80x128xi32, #tpu.memory_space<vmem>>, vector<1x16xi32>,
    %scan3A = arith.constant 0 : i32
    %scan3A_154 = arith.constant 0 : i32
    %scan3A_155 = arith.constant 20 : i32
    %scan3A_156 = arith.addi %scan3A_154, %scan3A_155 : i32
    %scan3A_157 = arith.constant 1 : i32
    scf.for %scan3A_159 = %scan3A_154 to %scan3A_156 step %scan3A_157  : i32 {
      %jit3A = arith.constant 10 : i32
      %div3A = arith.divsi %scan3A_159, %jit3A : i32
      %sign3A = arith.constant 0 : i32
      %sign3A_160 = arith.cmpi sgt, %scan3A_159, %sign3A : i32
      %sign3A_161 = arith.extui %sign3A_160 : i1 to i32
      %sign3A_162 = arith.constant 0 : i32
      %sign3A_163 = arith.cmpi slt, %scan3A_159, %sign3A_162 : i32
      %sign3A_164 = arith.extui %sign3A_163 : i1 to i32
      %sign3A_165 = arith.subi %sign3A_161, %sign3A_164 : i32
      %sign3A_166 = arith.constant 0 : i32
      %sign3A_167 = arith.cmpi sgt, %jit3A, %sign3A_166 : i32
      %sign3A_168 = arith.extui %sign3A_167 : i1 to i32
      %sign3A_169 = arith.constant 0 : i32
      %sign3A_170 = arith.cmpi slt, %jit3A, %sign3A_169 : i32
      %sign3A_171 = arith.extui %sign3A_170 : i1 to i32
      %sign3A_172 = arith.subi %sign3A_168, %sign3A_171 : i32
      %ne3A = arith.cmpi ne, %sign3A_165, %sign3A_172 : i32
      %rem3A = arith.remsi %scan3A_159, %jit3A : i32
      %ne3A_173 = arith.constant 0 : i32
      %ne3A_174 = arith.cmpi ne, %rem3A, %ne3A_173 : i32
      %and3A = arith.andi %ne3A, %ne3A_174 : i1
      %sub3A = arith.constant 1 : i32
      %sub3A_175 = arith.subi %div3A, %sub3A : i32
      %select_n3A = arith.select %and3A, %sub3A_175, %div3A : i32
      %jit3A_176 = arith.constant 10 : i32
      %eq3A = arith.constant 0 : i32
      %eq3A_177 = arith.cmpi eq, %jit3A_176, %eq3A : i32
      %jit3A_178 = arith.constant 1 : i32
      %select_n3A_179 = arith.select %eq3A_177, %jit3A_178, %jit3A_176 : i32
      %rem3A_180 = arith.remsi %scan3A_159, %select_n3A_179 : i32
      %ne3A_181 = arith.constant 0 : i32
      %ne3A_182 = arith.cmpi ne, %rem3A_180, %ne3A_181 : i32
      %lt3A = arith.constant 0 : i32
      %lt3A_183 = arith.cmpi slt, %rem3A_180, %lt3A : i32
      %lt3A_184 = arith.constant 0 : i32
      %lt3A_185 = arith.cmpi slt, %select_n3A_179, %lt3A_184 : i32
      %ne3A_186 = arith.xori %lt3A_183, %lt3A_185 : i1
      %and3A_187 = arith.andi %ne3A_186, %ne3A_182 : i1
      %add3A_188 = arith.addi %rem3A_180, %select_n3A_179 : i32
      %select_n3A_189 = arith.select %and3A_187, %add3A_188, %rem3A_180 : i32
      %mul3A_190 = arith.constant 512 : i32
      %mul3A_191 = arith.muli %select_n3A_189, %mul3A_190 : i32
      %mul3A_192 = arith.constant 256 : i32
      %mul3A_193 = arith.muli %arg0, %mul3A_192 : i32
      %add3A_194 = arith.addi %mul3A_191, %mul3A_193 : i32
      %mul3A_195 = arith.constant 5120 : i32
      %mul3A_196 = arith.muli %add3A_194, %mul3A_195 : i32
      %mul3A_197 = arith.constant 81920 : i32
      %mul3A_198 = arith.muli %arg1, %mul3A_197 : i32
      "tpu.region"() ({
        %run_scoped3A = tpu.sem_alloc : memref<!tpu.dma_semaphore, #tpu.memory_space<semaphore_mem>>
        %dma_start3A = tpu.memref_slice %arg9[%mul3A_198] : memref<1318912xf32, #tpu.memory_space<vmem_shared>> -> memref<81920xf32, #tpu.memory_space<vmem_shared>>
        tpu.enqueue_dma source(%arg3 : memref<81920xf32, #tpu.memory_space<hbm>>) target(%dma_start3A : memref<81920xf32, #tpu.memory_space<vmem_shared>>) target_semaphore(%run_scoped3A : memref<!tpu.dma_semaphore, #tpu.memory_space<semaphore_mem>>)
        %dma_wait3A = tpu.memref_slice %arg9[%mul3A_198] : memref<1318912xf32, #tpu.memory_space<vmem_shared>> -> memref<81920xf32, #tpu.memory_space<vmem_shared>>
        tpu.wait_dma2 semaphore(%run_scoped3A : memref<!tpu.dma_semaphore, #tpu.memory_space<semaphore_mem>>) src(%arg3 : memref<81920xf32, #tpu.memory_space<hbm>>) dst(%dma_wait3A : memref<81920xf32, #tpu.memory_space<vmem_shared>>)
        tpu.yield
      }) : () -> ()
      %barrier3A = arith.constant 0 : index
      tpu.barrier barrier_id(%barrier3A)
      %scan3A_199 = arith.constant 0 : i32
      %scan3A_200 = arith.constant 0 : i32
      %scan3A_201 = arith.constant 79 : i32
      %scan3A_202 = arith.addi %scan3A_200, %scan3A_201 : i32
      %scan3A_203 = arith.constant 1 : i32
      scf.for %scan3A_220 = %scan3A_200 to %scan3A_202 step %scan3A_203  : i32 {
        %mul3A_221 = arith.constant 10112 : i32
        %mul3A_222 = arith.muli %select_n3A, %mul3A_221 : i32
        %mul3A_223 = arith.constant 128 : i32
        %mul3A_224 = arith.muli %scan3A_220, %mul3A_223 : i32
        %add3A_225 = arith.addi %mul3A_222, %mul3A_224 : i32
        %add3A_226 = arith.constant 0 : i32
        %add3A_227 = arith.addi %add3A_225, %add3A_226 : i32
        %get3A = arith.index_cast %add3A_227 : i32 to index
        %get3A_228 = tpu.vector_load %arg6[%get3A] {strides = array<i32>} : memref<20224xi32, #tpu.memory_space<vmem>>, vector<16xi32>,
        %get3A_229 = vector.shape_cast %get3A_228 : vector<16xi32> to vector<16xi32>
        %sub3A_230 = vector.broadcast %mul3A_196 : i32 to vector<16xi32>
        %sub3A_231 = arith.subi %get3A_229, %sub3A_230 : vector<16xi32>
        %ge3A = arith.constant 0 : i32
        %ge3A_232 = vector.broadcast %ge3A : i32 to vector<16xi32>
        %ge3A_233 = arith.cmpi sge, %sub3A_231, %ge3A_232 : vector<16xi32>
        %lt3A_234 = arith.constant 1310720 : i32
        %lt3A_235 = vector.broadcast %lt3A_234 : i32 to vector<16xi32>
        %lt3A_236 = arith.cmpi slt, %sub3A_231, %lt3A_235 : vector<16xi32>
        %and3A_237 = arith.andi %ge3A_233, %lt3A_236 : vector<16xi1>
        %iota3A_238 = tpu.iota {dimensions = array<i32: 0>} : vector<16xi32>
        %mul3A_239 = arith.constant 8 : i32
        %mul3A_240 = vector.broadcast %mul3A_239 : i32 to vector<16xi32>
        %mul3A_241 = arith.muli %iota3A_238, %mul3A_240 : vector<16xi32>
        %add3A_242 = arith.constant 1310720 : i32
        %add3A_243 = vector.broadcast %add3A_242 : i32 to vector<16xi32>
        %add3A_244 = arith.addi %add3A_243, %mul3A_241 : vector<16xi32>
        %add3A_245 = arith.constant 0 : i32
        %add3A_246 = vector.broadcast %add3A_245 : i32 to vector<16xi32>
        %add3A_247 = arith.addi %add3A_244, %add3A_246 : vector<16xi32>
        %jit3A_248 = arith.constant 8 : i32
        %eq3A_249 = arith.constant 0 : i32
        %eq3A_250 = arith.cmpi eq, %jit3A_248, %eq3A_249 : i32
        %jit3A_251 = arith.constant 1 : i32
        %select_n3A_252 = arith.select %eq3A_250, %jit3A_251, %jit3A_248 : i32
        %rem3A_253 = arith.remsi %scan3A_220, %select_n3A_252 : i32
        %ne3A_254 = arith.constant 0 : i32
        %ne3A_255 = arith.cmpi ne, %rem3A_253, %ne3A_254 : i32
        %lt3A_256 = arith.constant 0 : i32
        %lt3A_257 = arith.cmpi slt, %rem3A_253, %lt3A_256 : i32
        %lt3A_258 = arith.constant 0 : i32
        %lt3A_259 = arith.cmpi slt, %select_n3A_252, %lt3A_258 : i32
        %ne3A_260 = arith.xori %lt3A_257, %lt3A_259 : i1
        %and3A_261 = arith.andi %ne3A_260, %ne3A_255 : i1
        %add3A_262 = arith.addi %rem3A_253, %select_n3A_252 : i32
        %select_n3A_263 = arith.select %and3A_261, %add3A_262, %rem3A_253 : i32
        %mul3A_264 = arith.constant 1024 : i32
        %mul3A_265 = arith.muli %select_n3A_263, %mul3A_264 : i32
        %add3A_266 = vector.broadcast %mul3A_265 : i32 to vector<16xi32>
        %add3A_267 = arith.addi %add3A_247, %add3A_266 : vector<16xi32>
        %select_n3A_268 = arith.select %and3A_237, %sub3A_231, %add3A_267 : vector<16xi1>, vector<16xi32>
        %swap3A_269 = arith.index_cast %scan3A_220 : i32 to index
        %swap3A_270 = arith.constant 0 : index
        %swap3A_271 = tpu.vector_load %arg8[%swap3A_269, %swap3A_270] {strides = array<i32>} : memref<80x128xi32, #tpu.memory_space<vmem>>, vector<1x16xi32>,
        %swap3A_272 = vector.shape_cast %swap3A_271 : vector<1x16xi32> to vector<16xi32>
        %swap3A_273 = vector.shape_cast %select_n3A_268 : vector<16xi32> to vector<1x16xi32>
        tpu.vector_store %arg8[%swap3A_269, %swap3A_270], %swap3A_273 {strides = array<i32>} : memref<80x128xi32, #tpu.memory_space<vmem>>, vector<1x16xi32>,
        %mul3A_274 = arith.constant 10112 : i32
        %mul3A_275 = arith.muli %select_n3A, %mul3A_274 : i32
        %mul3A_276 = arith.constant 128 : i32
        %mul3A_277 = arith.muli %scan3A_220, %mul3A_276 : i32
        %add3A_278 = arith.addi %mul3A_275, %mul3A_277 : i32
        %add3A_279 = arith.constant 16 : i32
        %add3A_280 = arith.addi %add3A_278, %add3A_279 : i32
        %get3A_281 = arith.index_cast %add3A_280 : i32 to index
        %get3A_282 = tpu.vector_load %arg6[%get3A_281] {strides = array<i32>} : memref<20224xi32, #tpu.memory_space<vmem>>, vector<16xi32>,
        %get3A_283 = vector.shape_cast %get3A_282 : vector<16xi32> to vector<16xi32>
        %sub3A_284 = vector.broadcast %mul3A_196 : i32 to vector<16xi32>
        %sub3A_285 = arith.subi %get3A_283, %sub3A_284 : vector<16xi32>
        %ge3A_286 = arith.constant 0 : i32
        %ge3A_287 = vector.broadcast %ge3A_286 : i32 to vector<16xi32>
        %ge3A_288 = arith.cmpi sge, %sub3A_285, %ge3A_287 : vector<16xi32>
        %lt3A_289 = arith.constant 1310720 : i32
        %lt3A_290 = vector.broadcast %lt3A_289 : i32 to vector<16xi32>
        %lt3A_291 = arith.cmpi slt, %sub3A_285, %lt3A_290 : vector<16xi32>
        %and3A_292 = arith.andi %ge3A_288, %lt3A_291 : vector<16xi1>
        %iota3A_293 = tpu.iota {dimensions = array<i32: 0>} : vector<16xi32>
        %mul3A_294 = arith.constant 8 : i32
        %mul3A_295 = vector.broadcast %mul3A_294 : i32 to vector<16xi32>
        %mul3A_296 = arith.muli %iota3A_293, %mul3A_295 : vector<16xi32>
        %add3A_297 = arith.constant 1310720 : i32
        %add3A_298 = vector.broadcast %add3A_297 : i32 to vector<16xi32>
        %add3A_299 = arith.addi %add3A_298, %mul3A_296 : vector<16xi32>
        %add3A_300 = arith.constant 128 : i32
        %add3A_301 = vector.broadcast %add3A_300 : i32 to vector<16xi32>
        %add3A_302 = arith.addi %add3A_299, %add3A_301 : vector<16xi32>
        %jit3A_303 = arith.constant 8 : i32
        %eq3A_304 = arith.constant 0 : i32
        %eq3A_305 = arith.cmpi eq, %jit3A_303, %eq3A_304 : i32
        %jit3A_306 = arith.constant 1 : i32
        %select_n3A_307 = arith.select %eq3A_305, %jit3A_306, %jit3A_303 : i32
        %rem3A_308 = arith.remsi %scan3A_220, %select_n3A_307 : i32
        %ne3A_309 = arith.constant 0 : i32
        %ne3A_310 = arith.cmpi ne, %rem3A_308, %ne3A_309 : i32
        %lt3A_311 = arith.constant 0 : i32
        %lt3A_312 = arith.cmpi slt, %rem3A_308, %lt3A_311 : i32
        %lt3A_313 = arith.constant 0 : i32
        %lt3A_314 = arith.cmpi slt, %select_n3A_307, %lt3A_313 : i32
        %ne3A_315 = arith.xori %lt3A_312, %lt3A_314 : i1
        %and3A_316 = arith.andi %ne3A_315, %ne3A_310 : i1
        %add3A_317 = arith.addi %rem3A_308, %select_n3A_307 : i32
        %select_n3A_318 = arith.select %and3A_316, %add3A_317, %rem3A_308 : i32
        %mul3A_319 = arith.constant 1024 : i32
        %mul3A_320 = arith.muli %select_n3A_318, %mul3A_319 : i32
        %add3A_321 = vector.broadcast %mul3A_320 : i32 to vector<16xi32>
        %add3A_322 = arith.addi %add3A_302, %add3A_321 : vector<16xi32>
        %select_n3A_323 = arith.select %and3A_292, %sub3A_285, %add3A_322 : vector<16xi1>, vector<16xi32>
        %swap3A_324 = arith.index_cast %scan3A_220 : i32 to index
        %swap3A_325 = arith.constant 16 : index
        %swap3A_326 = tpu.vector_load %arg8[%swap3A_324, %swap3A_325] {strides = array<i32>} : memref<80x128xi32, #tpu.memory_space<vmem>>, vector<1x16xi32>,
        %swap3A_327 = vector.shape_cast %swap3A_326 : vector<1x16xi32> to vector<16xi32>
        %swap3A_328 = vector.shape_cast %select_n3A_323 : vector<16xi32> to vector<1x16xi32>
        tpu.vector_store %arg8[%swap3A_324, %swap3A_325], %swap3A_328 {strides = array<i32>} : memref<80x128xi32, #tpu.memory_space<vmem>>, vector<1x16xi32>,
        %mul3A_329 = arith.constant 10112 : i32
        %mul3A_330 = arith.muli %select_n3A, %mul3A_329 : i32
        %mul3A_331 = arith.constant 128 : i32
        %mul3A_332 = arith.muli %scan3A_220, %mul3A_331 : i32
        %add3A_333 = arith.addi %mul3A_330, %mul3A_332 : i32
        %add3A_334 = arith.constant 32 : i32
        %add3A_335 = arith.addi %add3A_333, %add3A_334 : i32
        %get3A_336 = arith.index_cast %add3A_335 : i32 to index
        %get3A_337 = tpu.vector_load %arg6[%get3A_336] {strides = array<i32>} : memref<20224xi32, #tpu.memory_space<vmem>>, vector<16xi32>,
        %get3A_338 = vector.shape_cast %get3A_337 : vector<16xi32> to vector<16xi32>
        %sub3A_339 = vector.broadcast %mul3A_196 : i32 to vector<16xi32>
        %sub3A_340 = arith.subi %get3A_338, %sub3A_339 : vector<16xi32>
        %ge3A_341 = arith.constant 0 : i32
        %ge3A_342 = vector.broadcast %ge3A_341 : i32 to vector<16xi32>
        %ge3A_343 = arith.cmpi sge, %sub3A_340, %ge3A_342 : vector<16xi32>
        %lt3A_344 = arith.constant 1310720 : i32
        %lt3A_345 = vector.broadcast %lt3A_344 : i32 to vector<16xi32>
        %lt3A_346 = arith.cmpi slt, %sub3A_340, %lt3A_345 : vector<16xi32>
        %and3A_347 = arith.andi %ge3A_343, %lt3A_346 : vector<16xi1>
        %iota3A_348 = tpu.iota {dimensions = array<i32: 0>} : vector<16xi32>
        %mul3A_349 = arith.constant 8 : i32
        %mul3A_350 = vector.broadcast %mul3A_349 : i32 to vector<16xi32>
        %mul3A_351 = arith.muli %iota3A_348, %mul3A_350 : vector<16xi32>
        %add3A_352 = arith.constant 1310720 : i32
        %add3A_353 = vector.broadcast %add3A_352 : i32 to vector<16xi32>
        %add3A_354 = arith.addi %add3A_353, %mul3A_351 : vector<16xi32>
        %add3A_355 = arith.constant 256 : i32
        %add3A_356 = vector.broadcast %add3A_355 : i32 to vector<16xi32>
        %add3A_357 = arith.addi %add3A_354, %add3A_356 : vector<16xi32>
        %jit3A_358 = arith.constant 8 : i32
        %eq3A_359 = arith.constant 0 : i32
        %eq3A_360 = arith.cmpi eq, %jit3A_358, %eq3A_359 : i32
        %jit3A_361 = arith.constant 1 : i32
        %select_n3A_362 = arith.select %eq3A_360, %jit3A_361, %jit3A_358 : i32
        %rem3A_363 = arith.remsi %scan3A_220, %select_n3A_362 : i32
        %ne3A_364 = arith.constant 0 : i32
        %ne3A_365 = arith.cmpi ne, %rem3A_363, %ne3A_364 : i32
        %lt3A_366 = arith.constant 0 : i32
        %lt3A_367 = arith.cmpi slt, %rem3A_363, %lt3A_366 : i32
        %lt3A_368 = arith.constant 0 : i32
        %lt3A_369 = arith.cmpi slt, %select_n3A_362, %lt3A_368 : i32
        %ne3A_370 = arith.xori %lt3A_367, %lt3A_369 : i1
        %and3A_371 = arith.andi %ne3A_370, %ne3A_365 : i1
        %add3A_372 = arith.addi %rem3A_363, %select_n3A_362 : i32
        %select_n3A_373 = arith.select %and3A_371, %add3A_372, %rem3A_363 : i32
        %mul3A_374 = arith.constant 1024 : i32
        %mul3A_375 = arith.muli %select_n3A_373, %mul3A_374 : i32
        %add3A_376 = vector.broadcast %mul3A_375 : i32 to vector<16xi32>
        %add3A_377 = arith.addi %add3A_357, %add3A_376 : vector<16xi32>
        %select_n3A_378 = arith.select %and3A_347, %sub3A_340, %add3A_377 : vector<16xi1>, vector<16xi32>
        %swap3A_379 = arith.index_cast %scan3A_220 : i32 to index
        %swap3A_380 = arith.constant 32 : index
        %swap3A_381 = tpu.vector_load %arg8[%swap3A_379, %swap3A_380] {strides = array<i32>} : memref<80x128xi32, #tpu.memory_space<vmem>>, vector<1x16xi32>,
        %swap3A_382 = vector.shape_cast %swap3A_381 : vector<1x16xi32> to vector<16xi32>
        %swap3A_383 = vector.shape_cast %select_n3A_378 : vector<16xi32> to vector<1x16xi32>
        tpu.vector_store %arg8[%swap3A_379, %swap3A_380], %swap3A_383 {strides = array<i32>} : memref<80x128xi32, #tpu.memory_space<vmem>>, vector<1x16xi32>,
        %mul3A_384 = arith.constant 10112 : i32
        %mul3A_385 = arith.muli %select_n3A, %mul3A_384 : i32
        %mul3A_386 = arith.constant 128 : i32
        %mul3A_387 = arith.muli %scan3A_220, %mul3A_386 : i32
        %add3A_388 = arith.addi %mul3A_385, %mul3A_387 : i32
        %add3A_389 = arith.constant 48 : i32
        %add3A_390 = arith.addi %add3A_388, %add3A_389 : i32
        %get3A_391 = arith.index_cast %add3A_390 : i32 to index
        %get3A_392 = tpu.vector_load %arg6[%get3A_391] {strides = array<i32>} : memref<20224xi32, #tpu.memory_space<vmem>>, vector<16xi32>,
        %get3A_393 = vector.shape_cast %get3A_392 : vector<16xi32> to vector<16xi32>
        %sub3A_394 = vector.broadcast %mul3A_196 : i32 to vector<16xi32>
        %sub3A_395 = arith.subi %get3A_393, %sub3A_394 : vector<16xi32>
        %ge3A_396 = arith.constant 0 : i32
        %ge3A_397 = vector.broadcast %ge3A_396 : i32 to vector<16xi32>
        %ge3A_398 = arith.cmpi sge, %sub3A_395, %ge3A_397 : vector<16xi32>
        %lt3A_399 = arith.constant 1310720 : i32
        %lt3A_400 = vector.broadcast %lt3A_399 : i32 to vector<16xi32>
        %lt3A_401 = arith.cmpi slt, %sub3A_395, %lt3A_400 : vector<16xi32>
        %and3A_402 = arith.andi %ge3A_398, %lt3A_401 : vector<16xi1>
        %iota3A_403 = tpu.iota {dimensions = array<i32: 0>} : vector<16xi32>
        %mul3A_404 = arith.constant 8 : i32
        %mul3A_405 = vector.broadcast %mul3A_404 : i32 to vector<16xi32>
        %mul3A_406 = arith.muli %iota3A_403, %mul3A_405 : vector<16xi32>
        %add3A_407 = arith.constant 1310720 : i32
        %add3A_408 = vector.broadcast %add3A_407 : i32 to vector<16xi32>
        %add3A_409 = arith.addi %add3A_408, %mul3A_406 : vector<16xi32>
        %add3A_410 = arith.constant 384 : i32
        %add3A_411 = vector.broadcast %add3A_410 : i32 to vector<16xi32>
        %add3A_412 = arith.addi %add3A_409, %add3A_411 : vector<16xi32>
        %jit3A_413 = arith.constant 8 : i32
        %eq3A_414 = arith.constant 0 : i32
        %eq3A_415 = arith.cmpi eq, %jit3A_413, %eq3A_414 : i32
        %jit3A_416 = arith.constant 1 : i32
        %select_n3A_417 = arith.select %eq3A_415, %jit3A_416, %jit3A_413 : i32
        %rem3A_418 = arith.remsi %scan3A_220, %select_n3A_417 : i32
        %ne3A_419 = arith.constant 0 : i32
        %ne3A_420 = arith.cmpi ne, %rem3A_418, %ne3A_419 : i32
        %lt3A_421 = arith.constant 0 : i32
        %lt3A_422 = arith.cmpi slt, %rem3A_418, %lt3A_421 : i32
        %lt3A_423 = arith.constant 0 : i32
        %lt3A_424 = arith.cmpi slt, %select_n3A_417, %lt3A_423 : i32
        %ne3A_425 = arith.xori %lt3A_422, %lt3A_424 : i1
        %and3A_426 = arith.andi %ne3A_425, %ne3A_420 : i1
        %add3A_427 = arith.addi %rem3A_418, %select_n3A_417 : i32
        %select_n3A_428 = arith.select %and3A_426, %add3A_427, %rem3A_418 : i32
        %mul3A_429 = arith.constant 1024 : i32
        %mul3A_430 = arith.muli %select_n3A_428, %mul3A_429 : i32
        %add3A_431 = vector.broadcast %mul3A_430 : i32 to vector<16xi32>
        %add3A_432 = arith.addi %add3A_412, %add3A_431 : vector<16xi32>
        %select_n3A_433 = arith.select %and3A_402, %sub3A_395, %add3A_432 : vector<16xi1>, vector<16xi32>
        %swap3A_434 = arith.index_cast %scan3A_220 : i32 to index
        %swap3A_435 = arith.constant 48 : index
        %swap3A_436 = tpu.vector_load %arg8[%swap3A_434, %swap3A_435] {strides = array<i32>} : memref<80x128xi32, #tpu.memory_space<vmem>>, vector<1x16xi32>,
        %swap3A_437 = vector.shape_cast %swap3A_436 : vector<1x16xi32> to vector<16xi32>
        %swap3A_438 = vector.shape_cast %select_n3A_433 : vector<16xi32> to vector<1x16xi32>
        tpu.vector_store %arg8[%swap3A_434, %swap3A_435], %swap3A_438 {strides = array<i32>} : memref<80x128xi32, #tpu.memory_space<vmem>>, vector<1x16xi32>,
        %mul3A_439 = arith.constant 10112 : i32
        %mul3A_440 = arith.muli %select_n3A, %mul3A_439 : i32
        %mul3A_441 = arith.constant 128 : i32
        %mul3A_442 = arith.muli %scan3A_220, %mul3A_441 : i32
        %add3A_443 = arith.addi %mul3A_440, %mul3A_442 : i32
        %add3A_444 = arith.constant 64 : i32
        %add3A_445 = arith.addi %add3A_443, %add3A_444 : i32
        %get3A_446 = arith.index_cast %add3A_445 : i32 to index
        %get3A_447 = tpu.vector_load %arg6[%get3A_446] {strides = array<i32>} : memref<20224xi32, #tpu.memory_space<vmem>>, vector<16xi32>,
        %get3A_448 = vector.shape_cast %get3A_447 : vector<16xi32> to vector<16xi32>
        %sub3A_449 = vector.broadcast %mul3A_196 : i32 to vector<16xi32>
        %sub3A_450 = arith.subi %get3A_448, %sub3A_449 : vector<16xi32>
        %ge3A_451 = arith.constant 0 : i32
        %ge3A_452 = vector.broadcast %ge3A_451 : i32 to vector<16xi32>
        %ge3A_453 = arith.cmpi sge, %sub3A_450, %ge3A_452 : vector<16xi32>
        %lt3A_454 = arith.constant 1310720 : i32
        %lt3A_455 = vector.broadcast %lt3A_454 : i32 to vector<16xi32>
        %lt3A_456 = arith.cmpi slt, %sub3A_450, %lt3A_455 : vector<16xi32>
        %and3A_457 = arith.andi %ge3A_453, %lt3A_456 : vector<16xi1>
        %iota3A_458 = tpu.iota {dimensions = array<i32: 0>} : vector<16xi32>
        %mul3A_459 = arith.constant 8 : i32
        %mul3A_460 = vector.broadcast %mul3A_459 : i32 to vector<16xi32>
        %mul3A_461 = arith.muli %iota3A_458, %mul3A_460 : vector<16xi32>
        %add3A_462 = arith.constant 1310720 : i32
        %add3A_463 = vector.broadcast %add3A_462 : i32 to vector<16xi32>
        %add3A_464 = arith.addi %add3A_463, %mul3A_461 : vector<16xi32>
        %add3A_465 = arith.constant 512 : i32
        %add3A_466 = vector.broadcast %add3A_465 : i32 to vector<16xi32>
        %add3A_467 = arith.addi %add3A_464, %add3A_466 : vector<16xi32>
        %jit3A_468 = arith.constant 8 : i32
        %eq3A_469 = arith.constant 0 : i32
        %eq3A_470 = arith.cmpi eq, %jit3A_468, %eq3A_469 : i32
        %jit3A_471 = arith.constant 1 : i32
        %select_n3A_472 = arith.select %eq3A_470, %jit3A_471, %jit3A_468 : i32
        %rem3A_473 = arith.remsi %scan3A_220, %select_n3A_472 : i32
        %ne3A_474 = arith.constant 0 : i32
        %ne3A_475 = arith.cmpi ne, %rem3A_473, %ne3A_474 : i32
        %lt3A_476 = arith.constant 0 : i32
        %lt3A_477 = arith.cmpi slt, %rem3A_473, %lt3A_476 : i32
        %lt3A_478 = arith.constant 0 : i32
        %lt3A_479 = arith.cmpi slt, %select_n3A_472, %lt3A_478 : i32
        %ne3A_480 = arith.xori %lt3A_477, %lt3A_479 : i1
        %and3A_481 = arith.andi %ne3A_480, %ne3A_475 : i1
        %add3A_482 = arith.addi %rem3A_473, %select_n3A_472 : i32
        %select_n3A_483 = arith.select %and3A_481, %add3A_482, %rem3A_473 : i32
        %mul3A_484 = arith.constant 1024 : i32
        %mul3A_485 = arith.muli %select_n3A_483, %mul3A_484 : i32
        %add3A_486 = vector.broadcast %mul3A_485 : i32 to vector<16xi32>
        %add3A_487 = arith.addi %add3A_467, %add3A_486 : vector<16xi32>
        %select_n3A_488 = arith.select %and3A_457, %sub3A_450, %add3A_487 : vector<16xi1>, vector<16xi32>
        %swap3A_489 = arith.index_cast %scan3A_220 : i32 to index
        %swap3A_490 = arith.constant 64 : index
        %swap3A_491 = tpu.vector_load %arg8[%swap3A_489, %swap3A_490] {strides = array<i32>} : memref<80x128xi32, #tpu.memory_space<vmem>>, vector<1x16xi32>,
        %swap3A_492 = vector.shape_cast %swap3A_491 : vector<1x16xi32> to vector<16xi32>
        %swap3A_493 = vector.shape_cast %select_n3A_488 : vector<16xi32> to vector<1x16xi32>
        tpu.vector_store %arg8[%swap3A_489, %swap3A_490], %swap3A_493 {strides = array<i32>} : memref<80x128xi32, #tpu.memory_space<vmem>>, vector<1x16xi32>,
        %mul3A_494 = arith.constant 10112 : i32
        %mul3A_495 = arith.muli %select_n3A, %mul3A_494 : i32
        %mul3A_496 = arith.constant 128 : i32
        %mul3A_497 = arith.muli %scan3A_220, %mul3A_496 : i32
        %add3A_498 = arith.addi %mul3A_495, %mul3A_497 : i32
        %add3A_499 = arith.constant 80 : i32
        %add3A_500 = arith.addi %add3A_498, %add3A_499 : i32
        %get3A_501 = arith.index_cast %add3A_500 : i32 to index
        %get3A_502 = tpu.vector_load %arg6[%get3A_501] {strides = array<i32>} : memref<20224xi32, #tpu.memory_space<vmem>>, vector<16xi32>,
        %get3A_503 = vector.shape_cast %get3A_502 : vector<16xi32> to vector<16xi32>
        %sub3A_504 = vector.broadcast %mul3A_196 : i32 to vector<16xi32>
        %sub3A_505 = arith.subi %get3A_503, %sub3A_504 : vector<16xi32>
        %ge3A_506 = arith.constant 0 : i32
        %ge3A_507 = vector.broadcast %ge3A_506 : i32 to vector<16xi32>
        %ge3A_508 = arith.cmpi sge, %sub3A_505, %ge3A_507 : vector<16xi32>
        %lt3A_509 = arith.constant 1310720 : i32
        %lt3A_510 = vector.broadcast %lt3A_509 : i32 to vector<16xi32>
        %lt3A_511 = arith.cmpi slt, %sub3A_505, %lt3A_510 : vector<16xi32>
        %and3A_512 = arith.andi %ge3A_508, %lt3A_511 : vector<16xi1>
        %iota3A_513 = tpu.iota {dimensions = array<i32: 0>} : vector<16xi32>
        %mul3A_514 = arith.constant 8 : i32
        %mul3A_515 = vector.broadcast %mul3A_514 : i32 to vector<16xi32>
        %mul3A_516 = arith.muli %iota3A_513, %mul3A_515 : vector<16xi32>
        %add3A_517 = arith.constant 1310720 : i32
        %add3A_518 = vector.broadcast %add3A_517 : i32 to vector<16xi32>
        %add3A_519 = arith.addi %add3A_518, %mul3A_516 : vector<16xi32>
        %add3A_520 = arith.constant 640 : i32
        %add3A_521 = vector.broadcast %add3A_520 : i32 to vector<16xi32>
        %add3A_522 = arith.addi %add3A_519, %add3A_521 : vector<16xi32>
        %jit3A_523 = arith.constant 8 : i32
        %eq3A_524 = arith.constant 0 : i32
        %eq3A_525 = arith.cmpi eq, %jit3A_523, %eq3A_524 : i32
        %jit3A_526 = arith.constant 1 : i32
        %select_n3A_527 = arith.select %eq3A_525, %jit3A_526, %jit3A_523 : i32
        %rem3A_528 = arith.remsi %scan3A_220, %select_n3A_527 : i32
        %ne3A_529 = arith.constant 0 : i32
        %ne3A_530 = arith.cmpi ne, %rem3A_528, %ne3A_529 : i32
        %lt3A_531 = arith.constant 0 : i32
        %lt3A_532 = arith.cmpi slt, %rem3A_528, %lt3A_531 : i32
        %lt3A_533 = arith.constant 0 : i32
        %lt3A_534 = arith.cmpi slt, %select_n3A_527, %lt3A_533 : i32
        %ne3A_535 = arith.xori %lt3A_532, %lt3A_534 : i1
        %and3A_536 = arith.andi %ne3A_535, %ne3A_530 : i1
        %add3A_537 = arith.addi %rem3A_528, %select_n3A_527 : i32
        %select_n3A_538 = arith.select %and3A_536, %add3A_537, %rem3A_528 : i32
        %mul3A_539 = arith.constant 1024 : i32
        %mul3A_540 = arith.muli %select_n3A_538, %mul3A_539 : i32
        %add3A_541 = vector.broadcast %mul3A_540 : i32 to vector<16xi32>
        %add3A_542 = arith.addi %add3A_522, %add3A_541 : vector<16xi32>
        %select_n3A_543 = arith.select %and3A_512, %sub3A_505, %add3A_542 : vector<16xi1>, vector<16xi32>
        %swap3A_544 = arith.index_cast %scan3A_220 : i32 to index
        %swap3A_545 = arith.constant 80 : index
        %swap3A_546 = tpu.vector_load %arg8[%swap3A_544, %swap3A_545] {strides = array<i32>} : memref<80x128xi32, #tpu.memory_space<vmem>>, vector<1x16xi32>,
        %swap3A_547 = vector.shape_cast %swap3A_546 : vector<1x16xi32> to vector<16xi32>
        %swap3A_548 = vector.shape_cast %select_n3A_543 : vector<16xi32> to vector<1x16xi32>
        tpu.vector_store %arg8[%swap3A_544, %swap3A_545], %swap3A_548 {strides = array<i32>} : memref<80x128xi32, #tpu.memory_space<vmem>>, vector<1x16xi32>,
        %mul3A_549 = arith.constant 10112 : i32
        %mul3A_550 = arith.muli %select_n3A, %mul3A_549 : i32
        %mul3A_551 = arith.constant 128 : i32
        %mul3A_552 = arith.muli %scan3A_220, %mul3A_551 : i32
        %add3A_553 = arith.addi %mul3A_550, %mul3A_552 : i32
        %add3A_554 = arith.constant 96 : i32
        %add3A_555 = arith.addi %add3A_553, %add3A_554 : i32
        %get3A_556 = arith.index_cast %add3A_555 : i32 to index
        %get3A_557 = tpu.vector_load %arg6[%get3A_556] {strides = array<i32>} : memref<20224xi32, #tpu.memory_space<vmem>>, vector<16xi32>,
        %get3A_558 = vector.shape_cast %get3A_557 : vector<16xi32> to vector<16xi32>
        %sub3A_559 = vector.broadcast %mul3A_196 : i32 to vector<16xi32>
        %sub3A_560 = arith.subi %get3A_558, %sub3A_559 : vector<16xi32>
        %ge3A_561 = arith.constant 0 : i32
        %ge3A_562 = vector.broadcast %ge3A_561 : i32 to vector<16xi32>
        %ge3A_563 = arith.cmpi sge, %sub3A_560, %ge3A_562 : vector<16xi32>
        %lt3A_564 = arith.constant 1310720 : i32
        %lt3A_565 = vector.broadcast %lt3A_564 : i32 to vector<16xi32>
        %lt3A_566 = arith.cmpi slt, %sub3A_560, %lt3A_565 : vector<16xi32>
        %and3A_567 = arith.andi %ge3A_563, %lt3A_566 : vector<16xi1>
        %iota3A_568 = tpu.iota {dimensions = array<i32: 0>} : vector<16xi32>
        %mul3A_569 = arith.constant 8 : i32
        %mul3A_570 = vector.broadcast %mul3A_569 : i32 to vector<16xi32>
        %mul3A_571 = arith.muli %iota3A_568, %mul3A_570 : vector<16xi32>
        %add3A_572 = arith.constant 1310720 : i32
        %add3A_573 = vector.broadcast %add3A_572 : i32 to vector<16xi32>
        %add3A_574 = arith.addi %add3A_573, %mul3A_571 : vector<16xi32>
        %add3A_575 = arith.constant 768 : i32
        %add3A_576 = vector.broadcast %add3A_575 : i32 to vector<16xi32>
        %add3A_577 = arith.addi %add3A_574, %add3A_576 : vector<16xi32>
        %jit3A_578 = arith.constant 8 : i32
        %eq3A_579 = arith.constant 0 : i32
        %eq3A_580 = arith.cmpi eq, %jit3A_578, %eq3A_579 : i32
        %jit3A_581 = arith.constant 1 : i32
        %select_n3A_582 = arith.select %eq3A_580, %jit3A_581, %jit3A_578 : i32
        %rem3A_583 = arith.remsi %scan3A_220, %select_n3A_582 : i32
        %ne3A_584 = arith.constant 0 : i32
        %ne3A_585 = arith.cmpi ne, %rem3A_583, %ne3A_584 : i32
        %lt3A_586 = arith.constant 0 : i32
        %lt3A_587 = arith.cmpi slt, %rem3A_583, %lt3A_586 : i32
        %lt3A_588 = arith.constant 0 : i32
        %lt3A_589 = arith.cmpi slt, %select_n3A_582, %lt3A_588 : i32
        %ne3A_590 = arith.xori %lt3A_587, %lt3A_589 : i1
        %and3A_591 = arith.andi %ne3A_590, %ne3A_585 : i1
        %add3A_592 = arith.addi %rem3A_583, %select_n3A_582 : i32
        %select_n3A_593 = arith.select %and3A_591, %add3A_592, %rem3A_583 : i32
        %mul3A_594 = arith.constant 1024 : i32
        %mul3A_595 = arith.muli %select_n3A_593, %mul3A_594 : i32
        %add3A_596 = vector.broadcast %mul3A_595 : i32 to vector<16xi32>
        %add3A_597 = arith.addi %add3A_577, %add3A_596 : vector<16xi32>
        %select_n3A_598 = arith.select %and3A_567, %sub3A_560, %add3A_597 : vector<16xi1>, vector<16xi32>
        %swap3A_599 = arith.index_cast %scan3A_220 : i32 to index
        %swap3A_600 = arith.constant 96 : index
        %swap3A_601 = tpu.vector_load %arg8[%swap3A_599, %swap3A_600] {strides = array<i32>} : memref<80x128xi32, #tpu.memory_space<vmem>>, vector<1x16xi32>,
        %swap3A_602 = vector.shape_cast %swap3A_601 : vector<1x16xi32> to vector<16xi32>
        %swap3A_603 = vector.shape_cast %select_n3A_598 : vector<16xi32> to vector<1x16xi32>
        tpu.vector_store %arg8[%swap3A_599, %swap3A_600], %swap3A_603 {strides = array<i32>} : memref<80x128xi32, #tpu.memory_space<vmem>>, vector<1x16xi32>,
        %mul3A_604 = arith.constant 10112 : i32
        %mul3A_605 = arith.muli %select_n3A, %mul3A_604 : i32
        %mul3A_606 = arith.constant 128 : i32
        %mul3A_607 = arith.muli %scan3A_220, %mul3A_606 : i32
        %add3A_608 = arith.addi %mul3A_605, %mul3A_607 : i32
        %add3A_609 = arith.constant 112 : i32
        %add3A_610 = arith.addi %add3A_608, %add3A_609 : i32
        %get3A_611 = arith.index_cast %add3A_610 : i32 to index
        %get3A_612 = tpu.vector_load %arg6[%get3A_611] {strides = array<i32>} : memref<20224xi32, #tpu.memory_space<vmem>>, vector<16xi32>,
        %get3A_613 = vector.shape_cast %get3A_612 : vector<16xi32> to vector<16xi32>
        %sub3A_614 = vector.broadcast %mul3A_196 : i32 to vector<16xi32>
        %sub3A_615 = arith.subi %get3A_613, %sub3A_614 : vector<16xi32>
        %ge3A_616 = arith.constant 0 : i32
        %ge3A_617 = vector.broadcast %ge3A_616 : i32 to vector<16xi32>
        %ge3A_618 = arith.cmpi sge, %sub3A_615, %ge3A_617 : vector<16xi32>
        %lt3A_619 = arith.constant 1310720 : i32
        %lt3A_620 = vector.broadcast %lt3A_619 : i32 to vector<16xi32>
        %lt3A_621 = arith.cmpi slt, %sub3A_615, %lt3A_620 : vector<16xi32>
        %and3A_622 = arith.andi %ge3A_618, %lt3A_621 : vector<16xi1>
        %iota3A_623 = tpu.iota {dimensions = array<i32: 0>} : vector<16xi32>
        %mul3A_624 = arith.constant 8 : i32
        %mul3A_625 = vector.broadcast %mul3A_624 : i32 to vector<16xi32>
        %mul3A_626 = arith.muli %iota3A_623, %mul3A_625 : vector<16xi32>
        %add3A_627 = arith.constant 1310720 : i32
        %add3A_628 = vector.broadcast %add3A_627 : i32 to vector<16xi32>
        %add3A_629 = arith.addi %add3A_628, %mul3A_626 : vector<16xi32>
        %add3A_630 = arith.constant 896 : i32
        %add3A_631 = vector.broadcast %add3A_630 : i32 to vector<16xi32>
        %add3A_632 = arith.addi %add3A_629, %add3A_631 : vector<16xi32>
        %jit3A_633 = arith.constant 8 : i32
        %eq3A_634 = arith.constant 0 : i32
        %eq3A_635 = arith.cmpi eq, %jit3A_633, %eq3A_634 : i32
        %jit3A_636 = arith.constant 1 : i32
        %select_n3A_637 = arith.select %eq3A_635, %jit3A_636, %jit3A_633 : i32
        %rem3A_638 = arith.remsi %scan3A_220, %select_n3A_637 : i32
        %ne3A_639 = arith.constant 0 : i32
        %ne3A_640 = arith.cmpi ne, %rem3A_638, %ne3A_639 : i32
        %lt3A_641 = arith.constant 0 : i32
        %lt3A_642 = arith.cmpi slt, %rem3A_638, %lt3A_641 : i32
        %lt3A_643 = arith.constant 0 : i32
        %lt3A_644 = arith.cmpi slt, %select_n3A_637, %lt3A_643 : i32
        %ne3A_645 = arith.xori %lt3A_642, %lt3A_644 : i1
        %and3A_646 = arith.andi %ne3A_645, %ne3A_640 : i1
        %add3A_647 = arith.addi %rem3A_638, %select_n3A_637 : i32
        %select_n3A_648 = arith.select %and3A_646, %add3A_647, %rem3A_638 : i32
        %mul3A_649 = arith.constant 1024 : i32
        %mul3A_650 = arith.muli %select_n3A_648, %mul3A_649 : i32
        %add3A_651 = vector.broadcast %mul3A_650 : i32 to vector<16xi32>
        %add3A_652 = arith.addi %add3A_632, %add3A_651 : vector<16xi32>
        %select_n3A_653 = arith.select %and3A_622, %sub3A_615, %add3A_652 : vector<16xi1>, vector<16xi32>
        %swap3A_654 = arith.index_cast %scan3A_220 : i32 to index
        %swap3A_655 = arith.constant 112 : index
        %swap3A_656 = tpu.vector_load %arg8[%swap3A_654, %swap3A_655] {strides = array<i32>} : memref<80x128xi32, #tpu.memory_space<vmem>>, vector<1x16xi32>,
        %swap3A_657 = vector.shape_cast %swap3A_656 : vector<1x16xi32> to vector<16xi32>
        %swap3A_658 = vector.shape_cast %select_n3A_653 : vector<16xi32> to vector<1x16xi32>
        tpu.vector_store %arg8[%swap3A_654, %swap3A_655], %swap3A_658 {strides = array<i32>} : memref<80x128xi32, #tpu.memory_space<vmem>>, vector<1x16xi32>,
      }
      %scan3A_204 = arith.constant 79 : i32
      %scan3A_205 = arith.constant 0 : i32
      %scan3A_206 = arith.constant 0 : i32
      %scan3A_207 = arith.constant 5 : i32
      %scan3A_208 = arith.addi %scan3A_206, %scan3A_207 : i32
      %scan3A_209 = arith.constant 1 : i32
      scf.for %scan3A_220 = %scan3A_206 to %scan3A_208 step %scan3A_209  : i32 {
        %mul3A_221 = arith.constant 16 : i32
        %mul3A_222 = arith.muli %scan3A_220, %mul3A_221 : i32
        %add3A_223 = arith.constant 0 : i32
        %add3A_224 = arith.addi %mul3A_222, %add3A_223 : i32
        %dma_start3A = arith.constant 0 : i32
        %dma_start3A_225 = tpu.memref_slice %arg8[%add3A_224, %dma_start3A] : memref<80x128xi32, #tpu.memory_space<vmem>> -> memref<1x128xi32, #tpu.memory_space<vmem>>
        %dma_start3A_226 = tpu.memref_squeeze %dma_start3A_225 : memref<1x128xi32, #tpu.memory_space<vmem>> -> memref<128xi32, #tpu.memory_space<vmem>>
        %dma_start3A_227 = arith.constant 0 : i32
        %dma_start3A_228 = tpu.memref_slice %arg9[%dma_start3A_227] : memref<1318912xf32, #tpu.memory_space<vmem_shared>> -> memref<1318912xf32, #tpu.memory_space<vmem_shared>>
        tpu.enqueue_indirect_dma source(%arg7 : memref<128xf32, #tpu.memory_space<vmem>>) target(%dma_start3A_228 : memref<1318912xf32, #tpu.memory_space<vmem_shared>>) offsets(%dma_start3A_226 : memref<128xi32, #tpu.memory_space<vmem>>) semaphore(%arg10 : memref<!tpu.dma_semaphore, #tpu.memory_space<semaphore_mem>>) {add = true}
        %mul3A_229 = arith.constant 16 : i32
        %mul3A_230 = arith.muli %scan3A_220, %mul3A_229 : i32
        %add3A_231 = arith.constant 1 : i32
        %add3A_232 = arith.addi %mul3A_230, %add3A_231 : i32
        %dma_start3A_233 = arith.constant 0 : i32
        %dma_start3A_234 = tpu.memref_slice %arg8[%add3A_232, %dma_start3A_233] : memref<80x128xi32, #tpu.memory_space<vmem>> -> memref<1x128xi32, #tpu.memory_space<vmem>>
        %dma_start3A_235 = tpu.memref_squeeze %dma_start3A_234 : memref<1x128xi32, #tpu.memory_space<vmem>> -> memref<128xi32, #tpu.memory_space<vmem>>
        %dma_start3A_236 = arith.constant 0 : i32
        %dma_start3A_237 = tpu.memref_slice %arg9[%dma_start3A_236] : memref<1318912xf32, #tpu.memory_space<vmem_shared>> -> memref<1318912xf32, #tpu.memory_space<vmem_shared>>
        tpu.enqueue_indirect_dma source(%arg7 : memref<128xf32, #tpu.memory_space<vmem>>) target(%dma_start3A_237 : memref<1318912xf32, #tpu.memory_space<vmem_shared>>) offsets(%dma_start3A_235 : memref<128xi32, #tpu.memory_space<vmem>>) semaphore(%arg10 : memref<!tpu.dma_semaphore, #tpu.memory_space<semaphore_mem>>) {add = true}
        %mul3A_238 = arith.constant 16 : i32
        %mul3A_239 = arith.muli %scan3A_220, %mul3A_238 : i32
        %add3A_240 = arith.constant 2 : i32
        %add3A_241 = arith.addi %mul3A_239, %add3A_240 : i32
        %dma_start3A_242 = arith.constant 0 : i32
        %dma_start3A_243 = tpu.memref_slice %arg8[%add3A_241, %dma_start3A_242] : memref<80x128xi32, #tpu.memory_space<vmem>> -> memref<1x128xi32, #tpu.memory_space<vmem>>
        %dma_start3A_244 = tpu.memref_squeeze %dma_start3A_243 : memref<1x128xi32, #tpu.memory_space<vmem>> -> memref<128xi32, #tpu.memory_space<vmem>>
        %dma_start3A_245 = arith.constant 0 : i32
        %dma_start3A_246 = tpu.memref_slice %arg9[%dma_start3A_245] : memref<1318912xf32, #tpu.memory_space<vmem_shared>> -> memref<1318912xf32, #tpu.memory_space<vmem_shared>>
        tpu.enqueue_indirect_dma source(%arg7 : memref<128xf32, #tpu.memory_space<vmem>>) target(%dma_start3A_246 : memref<1318912xf32, #tpu.memory_space<vmem_shared>>) offsets(%dma_start3A_244 : memref<128xi32, #tpu.memory_space<vmem>>) semaphore(%arg10 : memref<!tpu.dma_semaphore, #tpu.memory_space<semaphore_mem>>) {add = true}
        %mul3A_247 = arith.constant 16 : i32
        %mul3A_248 = arith.muli %scan3A_220, %mul3A_247 : i32
        %add3A_249 = arith.constant 3 : i32
        %add3A_250 = arith.addi %mul3A_248, %add3A_249 : i32
        %dma_start3A_251 = arith.constant 0 : i32
        %dma_start3A_252 = tpu.memref_slice %arg8[%add3A_250, %dma_start3A_251] : memref<80x128xi32, #tpu.memory_space<vmem>> -> memref<1x128xi32, #tpu.memory_space<vmem>>
        %dma_start3A_253 = tpu.memref_squeeze %dma_start3A_252 : memref<1x128xi32, #tpu.memory_space<vmem>> -> memref<128xi32, #tpu.memory_space<vmem>>
        %dma_start3A_254 = arith.constant 0 : i32
        %dma_start3A_255 = tpu.memref_slice %arg9[%dma_start3A_254] : memref<1318912xf32, #tpu.memory_space<vmem_shared>> -> memref<1318912xf32, #tpu.memory_space<vmem_shared>>
        tpu.enqueue_indirect_dma source(%arg7 : memref<128xf32, #tpu.memory_space<vmem>>) target(%dma_start3A_255 : memref<1318912xf32, #tpu.memory_space<vmem_shared>>) offsets(%dma_start3A_253 : memref<128xi32, #tpu.memory_space<vmem>>) semaphore(%arg10 : memref<!tpu.dma_semaphore, #tpu.memory_space<semaphore_mem>>) {add = true}
        %mul3A_256 = arith.constant 16 : i32
        %mul3A_257 = arith.muli %scan3A_220, %mul3A_256 : i32
        %add3A_258 = arith.constant 4 : i32
        %add3A_259 = arith.addi %mul3A_257, %add3A_258 : i32
        %dma_start3A_260 = arith.constant 0 : i32
        %dma_start3A_261 = tpu.memref_slice %arg8[%add3A_259, %dma_start3A_260] : memref<80x128xi32, #tpu.memory_space<vmem>> -> memref<1x128xi32, #tpu.memory_space<vmem>>
        %dma_start3A_262 = tpu.memref_squeeze %dma_start3A_261 : memref<1x128xi32, #tpu.memory_space<vmem>> -> memref<128xi32, #tpu.memory_space<vmem>>
        %dma_start3A_263 = arith.constant 0 : i32
        %dma_start3A_264 = tpu.memref_slice %arg9[%dma_start3A_263] : memref<1318912xf32, #tpu.memory_space<vmem_shared>> -> memref<1318912xf32, #tpu.memory_space<vmem_shared>>
        tpu.enqueue_indirect_dma source(%arg7 : memref<128xf32, #tpu.memory_space<vmem>>) target(%dma_start3A_264 : memref<1318912xf32, #tpu.memory_space<vmem_shared>>) offsets(%dma_start3A_262 : memref<128xi32, #tpu.memory_space<vmem>>) semaphore(%arg10 : memref<!tpu.dma_semaphore, #tpu.memory_space<semaphore_mem>>) {add = true}
        %mul3A_265 = arith.constant 16 : i32
        %mul3A_266 = arith.muli %scan3A_220, %mul3A_265 : i32
        %add3A_267 = arith.constant 5 : i32
        %add3A_268 = arith.addi %mul3A_266, %add3A_267 : i32
        %dma_start3A_269 = arith.constant 0 : i32
        %dma_start3A_270 = tpu.memref_slice %arg8[%add3A_268, %dma_start3A_269] : memref<80x128xi32, #tpu.memory_space<vmem>> -> memref<1x128xi32, #tpu.memory_space<vmem>>
        %dma_start3A_271 = tpu.memref_squeeze %dma_start3A_270 : memref<1x128xi32, #tpu.memory_space<vmem>> -> memref<128xi32, #tpu.memory_space<vmem>>
        %dma_start3A_272 = arith.constant 0 : i32
        %dma_start3A_273 = tpu.memref_slice %arg9[%dma_start3A_272] : memref<1318912xf32, #tpu.memory_space<vmem_shared>> -> memref<1318912xf32, #tpu.memory_space<vmem_shared>>
        tpu.enqueue_indirect_dma source(%arg7 : memref<128xf32, #tpu.memory_space<vmem>>) target(%dma_start3A_273 : memref<1318912xf32, #tpu.memory_space<vmem_shared>>) offsets(%dma_start3A_271 : memref<128xi32, #tpu.memory_space<vmem>>) semaphore(%arg10 : memref<!tpu.dma_semaphore, #tpu.memory_space<semaphore_mem>>) {add = true}
        %mul3A_274 = arith.constant 16 : i32
        %mul3A_275 = arith.muli %scan3A_220, %mul3A_274 : i32
        %add3A_276 = arith.constant 6 : i32
        %add3A_277 = arith.addi %mul3A_275, %add3A_276 : i32
        %dma_start3A_278 = arith.constant 0 : i32
        %dma_start3A_279 = tpu.memref_slice %arg8[%add3A_277, %dma_start3A_278] : memref<80x128xi32, #tpu.memory_space<vmem>> -> memref<1x128xi32, #tpu.memory_space<vmem>>
        %dma_start3A_280 = tpu.memref_squeeze %dma_start3A_279 : memref<1x128xi32, #tpu.memory_space<vmem>> -> memref<128xi32, #tpu.memory_space<vmem>>
        %dma_start3A_281 = arith.constant 0 : i32
        %dma_start3A_282 = tpu.memref_slice %arg9[%dma_start3A_281] : memref<1318912xf32, #tpu.memory_space<vmem_shared>> -> memref<1318912xf32, #tpu.memory_space<vmem_shared>>
        tpu.enqueue_indirect_dma source(%arg7 : memref<128xf32, #tpu.memory_space<vmem>>) target(%dma_start3A_282 : memref<1318912xf32, #tpu.memory_space<vmem_shared>>) offsets(%dma_start3A_280 : memref<128xi32, #tpu.memory_space<vmem>>) semaphore(%arg10 : memref<!tpu.dma_semaphore, #tpu.memory_space<semaphore_mem>>) {add = true}
        %mul3A_283 = arith.constant 16 : i32
        %mul3A_284 = arith.muli %scan3A_220, %mul3A_283 : i32
        %add3A_285 = arith.constant 7 : i32
        %add3A_286 = arith.addi %mul3A_284, %add3A_285 : i32
        %dma_start3A_287 = arith.constant 0 : i32
        %dma_start3A_288 = tpu.memref_slice %arg8[%add3A_286, %dma_start3A_287] : memref<80x128xi32, #tpu.memory_space<vmem>> -> memref<1x128xi32, #tpu.memory_space<vmem>>
        %dma_start3A_289 = tpu.memref_squeeze %dma_start3A_288 : memref<1x128xi32, #tpu.memory_space<vmem>> -> memref<128xi32, #tpu.memory_space<vmem>>
        %dma_start3A_290 = arith.constant 0 : i32
        %dma_start3A_291 = tpu.memref_slice %arg9[%dma_start3A_290] : memref<1318912xf32, #tpu.memory_space<vmem_shared>> -> memref<1318912xf32, #tpu.memory_space<vmem_shared>>
        tpu.enqueue_indirect_dma source(%arg7 : memref<128xf32, #tpu.memory_space<vmem>>) target(%dma_start3A_291 : memref<1318912xf32, #tpu.memory_space<vmem_shared>>) offsets(%dma_start3A_289 : memref<128xi32, #tpu.memory_space<vmem>>) semaphore(%arg10 : memref<!tpu.dma_semaphore, #tpu.memory_space<semaphore_mem>>) {add = true}
        %mul3A_292 = arith.constant 16 : i32
        %mul3A_293 = arith.muli %scan3A_220, %mul3A_292 : i32
        %add3A_294 = arith.constant 8 : i32
        %add3A_295 = arith.addi %mul3A_293, %add3A_294 : i32
        %dma_start3A_296 = arith.constant 0 : i32
        %dma_start3A_297 = tpu.memref_slice %arg8[%add3A_295, %dma_start3A_296] : memref<80x128xi32, #tpu.memory_space<vmem>> -> memref<1x128xi32, #tpu.memory_space<vmem>>
        %dma_start3A_298 = tpu.memref_squeeze %dma_start3A_297 : memref<1x128xi32, #tpu.memory_space<vmem>> -> memref<128xi32, #tpu.memory_space<vmem>>
        %dma_start3A_299 = arith.constant 0 : i32
        %dma_start3A_300 = tpu.memref_slice %arg9[%dma_start3A_299] : memref<1318912xf32, #tpu.memory_space<vmem_shared>> -> memref<1318912xf32, #tpu.memory_space<vmem_shared>>
        tpu.enqueue_indirect_dma source(%arg7 : memref<128xf32, #tpu.memory_space<vmem>>) target(%dma_start3A_300 : memref<1318912xf32, #tpu.memory_space<vmem_shared>>) offsets(%dma_start3A_298 : memref<128xi32, #tpu.memory_space<vmem>>) semaphore(%arg10 : memref<!tpu.dma_semaphore, #tpu.memory_space<semaphore_mem>>) {add = true}
        %mul3A_301 = arith.constant 16 : i32
        %mul3A_302 = arith.muli %scan3A_220, %mul3A_301 : i32
        %add3A_303 = arith.constant 9 : i32
        %add3A_304 = arith.addi %mul3A_302, %add3A_303 : i32
        %dma_start3A_305 = arith.constant 0 : i32
        %dma_start3A_306 = tpu.memref_slice %arg8[%add3A_304, %dma_start3A_305] : memref<80x128xi32, #tpu.memory_space<vmem>> -> memref<1x128xi32, #tpu.memory_space<vmem>>
        %dma_start3A_307 = tpu.memref_squeeze %dma_start3A_306 : memref<1x128xi32, #tpu.memory_space<vmem>> -> memref<128xi32, #tpu.memory_space<vmem>>
        %dma_start3A_308 = arith.constant 0 : i32
        %dma_start3A_309 = tpu.memref_slice %arg9[%dma_start3A_308] : memref<1318912xf32, #tpu.memory_space<vmem_shared>> -> memref<1318912xf32, #tpu.memory_space<vmem_shared>>
        tpu.enqueue_indirect_dma source(%arg7 : memref<128xf32, #tpu.memory_space<vmem>>) target(%dma_start3A_309 : memref<1318912xf32, #tpu.memory_space<vmem_shared>>) offsets(%dma_start3A_307 : memref<128xi32, #tpu.memory_space<vmem>>) semaphore(%arg10 : memref<!tpu.dma_semaphore, #tpu.memory_space<semaphore_mem>>) {add = true}
        %mul3A_310 = arith.constant 16 : i32
        %mul3A_311 = arith.muli %scan3A_220, %mul3A_310 : i32
        %add3A_312 = arith.constant 10 : i32
        %add3A_313 = arith.addi %mul3A_311, %add3A_312 : i32
        %dma_start3A_314 = arith.constant 0 : i32
        %dma_start3A_315 = tpu.memref_slice %arg8[%add3A_313, %dma_start3A_314] : memref<80x128xi32, #tpu.memory_space<vmem>> -> memref<1x128xi32, #tpu.memory_space<vmem>>
        %dma_start3A_316 = tpu.memref_squeeze %dma_start3A_315 : memref<1x128xi32, #tpu.memory_space<vmem>> -> memref<128xi32, #tpu.memory_space<vmem>>
        %dma_start3A_317 = arith.constant 0 : i32
        %dma_start3A_318 = tpu.memref_slice %arg9[%dma_start3A_317] : memref<1318912xf32, #tpu.memory_space<vmem_shared>> -> memref<1318912xf32, #tpu.memory_space<vmem_shared>>
        tpu.enqueue_indirect_dma source(%arg7 : memref<128xf32, #tpu.memory_space<vmem>>) target(%dma_start3A_318 : memref<1318912xf32, #tpu.memory_space<vmem_shared>>) offsets(%dma_start3A_316 : memref<128xi32, #tpu.memory_space<vmem>>) semaphore(%arg10 : memref<!tpu.dma_semaphore, #tpu.memory_space<semaphore_mem>>) {add = true}
        %mul3A_319 = arith.constant 16 : i32
        %mul3A_320 = arith.muli %scan3A_220, %mul3A_319 : i32
        %add3A_321 = arith.constant 11 : i32
        %add3A_322 = arith.addi %mul3A_320, %add3A_321 : i32
        %dma_start3A_323 = arith.constant 0 : i32
        %dma_start3A_324 = tpu.memref_slice %arg8[%add3A_322, %dma_start3A_323] : memref<80x128xi32, #tpu.memory_space<vmem>> -> memref<1x128xi32, #tpu.memory_space<vmem>>
        %dma_start3A_325 = tpu.memref_squeeze %dma_start3A_324 : memref<1x128xi32, #tpu.memory_space<vmem>> -> memref<128xi32, #tpu.memory_space<vmem>>
        %dma_start3A_326 = arith.constant 0 : i32
        %dma_start3A_327 = tpu.memref_slice %arg9[%dma_start3A_326] : memref<1318912xf32, #tpu.memory_space<vmem_shared>> -> memref<1318912xf32, #tpu.memory_space<vmem_shared>>
        tpu.enqueue_indirect_dma source(%arg7 : memref<128xf32, #tpu.memory_space<vmem>>) target(%dma_start3A_327 : memref<1318912xf32, #tpu.memory_space<vmem_shared>>) offsets(%dma_start3A_325 : memref<128xi32, #tpu.memory_space<vmem>>) semaphore(%arg10 : memref<!tpu.dma_semaphore, #tpu.memory_space<semaphore_mem>>) {add = true}
        %mul3A_328 = arith.constant 16 : i32
        %mul3A_329 = arith.muli %scan3A_220, %mul3A_328 : i32
        %add3A_330 = arith.constant 12 : i32
        %add3A_331 = arith.addi %mul3A_329, %add3A_330 : i32
        %dma_start3A_332 = arith.constant 0 : i32
        %dma_start3A_333 = tpu.memref_slice %arg8[%add3A_331, %dma_start3A_332] : memref<80x128xi32, #tpu.memory_space<vmem>> -> memref<1x128xi32, #tpu.memory_space<vmem>>
        %dma_start3A_334 = tpu.memref_squeeze %dma_start3A_333 : memref<1x128xi32, #tpu.memory_space<vmem>> -> memref<128xi32, #tpu.memory_space<vmem>>
        %dma_start3A_335 = arith.constant 0 : i32
        %dma_start3A_336 = tpu.memref_slice %arg9[%dma_start3A_335] : memref<1318912xf32, #tpu.memory_space<vmem_shared>> -> memref<1318912xf32, #tpu.memory_space<vmem_shared>>
        tpu.enqueue_indirect_dma source(%arg7 : memref<128xf32, #tpu.memory_space<vmem>>) target(%dma_start3A_336 : memref<1318912xf32, #tpu.memory_space<vmem_shared>>) offsets(%dma_start3A_334 : memref<128xi32, #tpu.memory_space<vmem>>) semaphore(%arg10 : memref<!tpu.dma_semaphore, #tpu.memory_space<semaphore_mem>>) {add = true}
        %mul3A_337 = arith.constant 16 : i32
        %mul3A_338 = arith.muli %scan3A_220, %mul3A_337 : i32
        %add3A_339 = arith.constant 13 : i32
        %add3A_340 = arith.addi %mul3A_338, %add3A_339 : i32
        %dma_start3A_341 = arith.constant 0 : i32
        %dma_start3A_342 = tpu.memref_slice %arg8[%add3A_340, %dma_start3A_341] : memref<80x128xi32, #tpu.memory_space<vmem>> -> memref<1x128xi32, #tpu.memory_space<vmem>>
        %dma_start3A_343 = tpu.memref_squeeze %dma_start3A_342 : memref<1x128xi32, #tpu.memory_space<vmem>> -> memref<128xi32, #tpu.memory_space<vmem>>
        %dma_start3A_344 = arith.constant 0 : i32
        %dma_start3A_345 = tpu.memref_slice %arg9[%dma_start3A_344] : memref<1318912xf32, #tpu.memory_space<vmem_shared>> -> memref<1318912xf32, #tpu.memory_space<vmem_shared>>
        tpu.enqueue_indirect_dma source(%arg7 : memref<128xf32, #tpu.memory_space<vmem>>) target(%dma_start3A_345 : memref<1318912xf32, #tpu.memory_space<vmem_shared>>) offsets(%dma_start3A_343 : memref<128xi32, #tpu.memory_space<vmem>>) semaphore(%arg10 : memref<!tpu.dma_semaphore, #tpu.memory_space<semaphore_mem>>) {add = true}
        %mul3A_346 = arith.constant 16 : i32
        %mul3A_347 = arith.muli %scan3A_220, %mul3A_346 : i32
        %add3A_348 = arith.constant 14 : i32
        %add3A_349 = arith.addi %mul3A_347, %add3A_348 : i32
        %dma_start3A_350 = arith.constant 0 : i32
        %dma_start3A_351 = tpu.memref_slice %arg8[%add3A_349, %dma_start3A_350] : memref<80x128xi32, #tpu.memory_space<vmem>> -> memref<1x128xi32, #tpu.memory_space<vmem>>
        %dma_start3A_352 = tpu.memref_squeeze %dma_start3A_351 : memref<1x128xi32, #tpu.memory_space<vmem>> -> memref<128xi32, #tpu.memory_space<vmem>>
        %dma_start3A_353 = arith.constant 0 : i32
        %dma_start3A_354 = tpu.memref_slice %arg9[%dma_start3A_353] : memref<1318912xf32, #tpu.memory_space<vmem_shared>> -> memref<1318912xf32, #tpu.memory_space<vmem_shared>>
        tpu.enqueue_indirect_dma source(%arg7 : memref<128xf32, #tpu.memory_space<vmem>>) target(%dma_start3A_354 : memref<1318912xf32, #tpu.memory_space<vmem_shared>>) offsets(%dma_start3A_352 : memref<128xi32, #tpu.memory_space<vmem>>) semaphore(%arg10 : memref<!tpu.dma_semaphore, #tpu.memory_space<semaphore_mem>>) {add = true}
        %mul3A_355 = arith.constant 16 : i32
        %mul3A_356 = arith.muli %scan3A_220, %mul3A_355 : i32
        %add3A_357 = arith.constant 15 : i32
        %add3A_358 = arith.addi %mul3A_356, %add3A_357 : i32
        %dma_start3A_359 = arith.constant 0 : i32
        %dma_start3A_360 = tpu.memref_slice %arg8[%add3A_358, %dma_start3A_359] : memref<80x128xi32, #tpu.memory_space<vmem>> -> memref<1x128xi32, #tpu.memory_space<vmem>>
        %dma_start3A_361 = tpu.memref_squeeze %dma_start3A_360 : memref<1x128xi32, #tpu.memory_space<vmem>> -> memref<128xi32, #tpu.memory_space<vmem>>
        %dma_start3A_362 = arith.constant 0 : i32
        %dma_start3A_363 = tpu.memref_slice %arg9[%dma_start3A_362] : memref<1318912xf32, #tpu.memory_space<vmem_shared>> -> memref<1318912xf32, #tpu.memory_space<vmem_shared>>
        tpu.enqueue_indirect_dma source(%arg7 : memref<128xf32, #tpu.memory_space<vmem>>) target(%dma_start3A_363 : memref<1318912xf32, #tpu.memory_space<vmem_shared>>) offsets(%dma_start3A_361 : memref<128xi32, #tpu.memory_space<vmem>>) semaphore(%arg10 : memref<!tpu.dma_semaphore, #tpu.memory_space<semaphore_mem>>) {add = true}
        %dma_wait3A = arith.constant 0 : i32
        %dma_wait3A_364 = tpu.memref_slice %arg8[%add3A_224, %dma_wait3A] : memref<80x128xi32, #tpu.memory_space<vmem>> -> memref<1x128xi32, #tpu.memory_space<vmem>>
        %dma_wait3A_365 = tpu.memref_squeeze %dma_wait3A_364 : memref<1x128xi32, #tpu.memory_space<vmem>> -> memref<128xi32, #tpu.memory_space<vmem>>
        %dma_wait3A_366 = arith.constant 0 : i32
        %dma_wait3A_367 = tpu.memref_slice %arg9[%dma_wait3A_366] : memref<1318912xf32, #tpu.memory_space<vmem_shared>> -> memref<1318912xf32, #tpu.memory_space<vmem_shared>>
        tpu.wait_indirect_dma semaphore(%arg10 : memref<!tpu.dma_semaphore, #tpu.memory_space<semaphore_mem>>) src(%arg7 : memref<128xf32, #tpu.memory_space<vmem>>) dst(%dma_wait3A_367 : memref<1318912xf32, #tpu.memory_space<vmem_shared>>)
        %dma_wait3A_368 = arith.constant 0 : i32
        %dma_wait3A_369 = tpu.memref_slice %arg8[%add3A_232, %dma_wait3A_368] : memref<80x128xi32, #tpu.memory_space<vmem>> -> memref<1x128xi32, #tpu.memory_space<vmem>>
        %dma_wait3A_370 = tpu.memref_squeeze %dma_wait3A_369 : memref<1x128xi32, #tpu.memory_space<vmem>> -> memref<128xi32, #tpu.memory_space<vmem>>
        %dma_wait3A_371 = arith.constant 0 : i32
        %dma_wait3A_372 = tpu.memref_slice %arg9[%dma_wait3A_371] : memref<1318912xf32, #tpu.memory_space<vmem_shared>> -> memref<1318912xf32, #tpu.memory_space<vmem_shared>>
        tpu.wait_indirect_dma semaphore(%arg10 : memref<!tpu.dma_semaphore, #tpu.memory_space<semaphore_mem>>) src(%arg7 : memref<128xf32, #tpu.memory_space<vmem>>) dst(%dma_wait3A_372 : memref<1318912xf32, #tpu.memory_space<vmem_shared>>)
        %dma_wait3A_373 = arith.constant 0 : i32
        %dma_wait3A_374 = tpu.memref_slice %arg8[%add3A_241, %dma_wait3A_373] : memref<80x128xi32, #tpu.memory_space<vmem>> -> memref<1x128xi32, #tpu.memory_space<vmem>>
        %dma_wait3A_375 = tpu.memref_squeeze %dma_wait3A_374 : memref<1x128xi32, #tpu.memory_space<vmem>> -> memref<128xi32, #tpu.memory_space<vmem>>
        %dma_wait3A_376 = arith.constant 0 : i32
        %dma_wait3A_377 = tpu.memref_slice %arg9[%dma_wait3A_376] : memref<1318912xf32, #tpu.memory_space<vmem_shared>> -> memref<1318912xf32, #tpu.memory_space<vmem_shared>>
        tpu.wait_indirect_dma semaphore(%arg10 : memref<!tpu.dma_semaphore, #tpu.memory_space<semaphore_mem>>) src(%arg7 : memref<128xf32, #tpu.memory_space<vmem>>) dst(%dma_wait3A_377 : memref<1318912xf32, #tpu.memory_space<vmem_shared>>)
        %dma_wait3A_378 = arith.constant 0 : i32
        %dma_wait3A_379 = tpu.memref_slice %arg8[%add3A_250, %dma_wait3A_378] : memref<80x128xi32, #tpu.memory_space<vmem>> -> memref<1x128xi32, #tpu.memory_space<vmem>>
        %dma_wait3A_380 = tpu.memref_squeeze %dma_wait3A_379 : memref<1x128xi32, #tpu.memory_space<vmem>> -> memref<128xi32, #tpu.memory_space<vmem>>
        %dma_wait3A_381 = arith.constant 0 : i32
        %dma_wait3A_382 = tpu.memref_slice %arg9[%dma_wait3A_381] : memref<1318912xf32, #tpu.memory_space<vmem_shared>> -> memref<1318912xf32, #tpu.memory_space<vmem_shared>>
        tpu.wait_indirect_dma semaphore(%arg10 : memref<!tpu.dma_semaphore, #tpu.memory_space<semaphore_mem>>) src(%arg7 : memref<128xf32, #tpu.memory_space<vmem>>) dst(%dma_wait3A_382 : memref<1318912xf32, #tpu.memory_space<vmem_shared>>)
        %dma_wait3A_383 = arith.constant 0 : i32
        %dma_wait3A_384 = tpu.memref_slice %arg8[%add3A_259, %dma_wait3A_383] : memref<80x128xi32, #tpu.memory_space<vmem>> -> memref<1x128xi32, #tpu.memory_space<vmem>>
        %dma_wait3A_385 = tpu.memref_squeeze %dma_wait3A_384 : memref<1x128xi32, #tpu.memory_space<vmem>> -> memref<128xi32, #tpu.memory_space<vmem>>
        %dma_wait3A_386 = arith.constant 0 : i32
        %dma_wait3A_387 = tpu.memref_slice %arg9[%dma_wait3A_386] : memref<1318912xf32, #tpu.memory_space<vmem_shared>> -> memref<1318912xf32, #tpu.memory_space<vmem_shared>>
        tpu.wait_indirect_dma semaphore(%arg10 : memref<!tpu.dma_semaphore, #tpu.memory_space<semaphore_mem>>) src(%arg7 : memref<128xf32, #tpu.memory_space<vmem>>) dst(%dma_wait3A_387 : memref<1318912xf32, #tpu.memory_space<vmem_shared>>)
        %dma_wait3A_388 = arith.constant 0 : i32
        %dma_wait3A_389 = tpu.memref_slice %arg8[%add3A_268, %dma_wait3A_388] : memref<80x128xi32, #tpu.memory_space<vmem>> -> memref<1x128xi32, #tpu.memory_space<vmem>>
        %dma_wait3A_390 = tpu.memref_squeeze %dma_wait3A_389 : memref<1x128xi32, #tpu.memory_space<vmem>> -> memref<128xi32, #tpu.memory_space<vmem>>
        %dma_wait3A_391 = arith.constant 0 : i32
        %dma_wait3A_392 = tpu.memref_slice %arg9[%dma_wait3A_391] : memref<1318912xf32, #tpu.memory_space<vmem_shared>> -> memref<1318912xf32, #tpu.memory_space<vmem_shared>>
        tpu.wait_indirect_dma semaphore(%arg10 : memref<!tpu.dma_semaphore, #tpu.memory_space<semaphore_mem>>) src(%arg7 : memref<128xf32, #tpu.memory_space<vmem>>) dst(%dma_wait3A_392 : memref<1318912xf32, #tpu.memory_space<vmem_shared>>)
        %dma_wait3A_393 = arith.constant 0 : i32
        %dma_wait3A_394 = tpu.memref_slice %arg8[%add3A_277, %dma_wait3A_393] : memref<80x128xi32, #tpu.memory_space<vmem>> -> memref<1x128xi32, #tpu.memory_space<vmem>>
        %dma_wait3A_395 = tpu.memref_squeeze %dma_wait3A_394 : memref<1x128xi32, #tpu.memory_space<vmem>> -> memref<128xi32, #tpu.memory_space<vmem>>
        %dma_wait3A_396 = arith.constant 0 : i32
        %dma_wait3A_397 = tpu.memref_slice %arg9[%dma_wait3A_396] : memref<1318912xf32, #tpu.memory_space<vmem_shared>> -> memref<1318912xf32, #tpu.memory_space<vmem_shared>>
        tpu.wait_indirect_dma semaphore(%arg10 : memref<!tpu.dma_semaphore, #tpu.memory_space<semaphore_mem>>) src(%arg7 : memref<128xf32, #tpu.memory_space<vmem>>) dst(%dma_wait3A_397 : memref<1318912xf32, #tpu.memory_space<vmem_shared>>)
        %dma_wait3A_398 = arith.constant 0 : i32
        %dma_wait3A_399 = tpu.memref_slice %arg8[%add3A_286, %dma_wait3A_398] : memref<80x128xi32, #tpu.memory_space<vmem>> -> memref<1x128xi32, #tpu.memory_space<vmem>>
        %dma_wait3A_400 = tpu.memref_squeeze %dma_wait3A_399 : memref<1x128xi32, #tpu.memory_space<vmem>> -> memref<128xi32, #tpu.memory_space<vmem>>
        %dma_wait3A_401 = arith.constant 0 : i32
        %dma_wait3A_402 = tpu.memref_slice %arg9[%dma_wait3A_401] : memref<1318912xf32, #tpu.memory_space<vmem_shared>> -> memref<1318912xf32, #tpu.memory_space<vmem_shared>>
        tpu.wait_indirect_dma semaphore(%arg10 : memref<!tpu.dma_semaphore, #tpu.memory_space<semaphore_mem>>) src(%arg7 : memref<128xf32, #tpu.memory_space<vmem>>) dst(%dma_wait3A_402 : memref<1318912xf32, #tpu.memory_space<vmem_shared>>)
        %dma_wait3A_403 = arith.constant 0 : i32
        %dma_wait3A_404 = tpu.memref_slice %arg8[%add3A_295, %dma_wait3A_403] : memref<80x128xi32, #tpu.memory_space<vmem>> -> memref<1x128xi32, #tpu.memory_space<vmem>>
        %dma_wait3A_405 = tpu.memref_squeeze %dma_wait3A_404 : memref<1x128xi32, #tpu.memory_space<vmem>> -> memref<128xi32, #tpu.memory_space<vmem>>
        %dma_wait3A_406 = arith.constant 0 : i32
        %dma_wait3A_407 = tpu.memref_slice %arg9[%dma_wait3A_406] : memref<1318912xf32, #tpu.memory_space<vmem_shared>> -> memref<1318912xf32, #tpu.memory_space<vmem_shared>>
        tpu.wait_indirect_dma semaphore(%arg10 : memref<!tpu.dma_semaphore, #tpu.memory_space<semaphore_mem>>) src(%arg7 : memref<128xf32, #tpu.memory_space<vmem>>) dst(%dma_wait3A_407 : memref<1318912xf32, #tpu.memory_space<vmem_shared>>)
        %dma_wait3A_408 = arith.constant 0 : i32
        %dma_wait3A_409 = tpu.memref_slice %arg8[%add3A_304, %dma_wait3A_408] : memref<80x128xi32, #tpu.memory_space<vmem>> -> memref<1x128xi32, #tpu.memory_space<vmem>>
        %dma_wait3A_410 = tpu.memref_squeeze %dma_wait3A_409 : memref<1x128xi32, #tpu.memory_space<vmem>> -> memref<128xi32, #tpu.memory_space<vmem>>
        %dma_wait3A_411 = arith.constant 0 : i32
        %dma_wait3A_412 = tpu.memref_slice %arg9[%dma_wait3A_411] : memref<1318912xf32, #tpu.memory_space<vmem_shared>> -> memref<1318912xf32, #tpu.memory_space<vmem_shared>>
        tpu.wait_indirect_dma semaphore(%arg10 : memref<!tpu.dma_semaphore, #tpu.memory_space<semaphore_mem>>) src(%arg7 : memref<128xf32, #tpu.memory_space<vmem>>) dst(%dma_wait3A_412 : memref<1318912xf32, #tpu.memory_space<vmem_shared>>)
        %dma_wait3A_413 = arith.constant 0 : i32
        %dma_wait3A_414 = tpu.memref_slice %arg8[%add3A_313, %dma_wait3A_413] : memref<80x128xi32, #tpu.memory_space<vmem>> -> memref<1x128xi32, #tpu.memory_space<vmem>>
        %dma_wait3A_415 = tpu.memref_squeeze %dma_wait3A_414 : memref<1x128xi32, #tpu.memory_space<vmem>> -> memref<128xi32, #tpu.memory_space<vmem>>
        %dma_wait3A_416 = arith.constant 0 : i32
        %dma_wait3A_417 = tpu.memref_slice %arg9[%dma_wait3A_416] : memref<1318912xf32, #tpu.memory_space<vmem_shared>> -> memref<1318912xf32, #tpu.memory_space<vmem_shared>>
        tpu.wait_indirect_dma semaphore(%arg10 : memref<!tpu.dma_semaphore, #tpu.memory_space<semaphore_mem>>) src(%arg7 : memref<128xf32, #tpu.memory_space<vmem>>) dst(%dma_wait3A_417 : memref<1318912xf32, #tpu.memory_space<vmem_shared>>)
        %dma_wait3A_418 = arith.constant 0 : i32
        %dma_wait3A_419 = tpu.memref_slice %arg8[%add3A_322, %dma_wait3A_418] : memref<80x128xi32, #tpu.memory_space<vmem>> -> memref<1x128xi32, #tpu.memory_space<vmem>>
        %dma_wait3A_420 = tpu.memref_squeeze %dma_wait3A_419 : memref<1x128xi32, #tpu.memory_space<vmem>> -> memref<128xi32, #tpu.memory_space<vmem>>
        %dma_wait3A_421 = arith.constant 0 : i32
        %dma_wait3A_422 = tpu.memref_slice %arg9[%dma_wait3A_421] : memref<1318912xf32, #tpu.memory_space<vmem_shared>> -> memref<1318912xf32, #tpu.memory_space<vmem_shared>>
        tpu.wait_indirect_dma semaphore(%arg10 : memref<!tpu.dma_semaphore, #tpu.memory_space<semaphore_mem>>) src(%arg7 : memref<128xf32, #tpu.memory_space<vmem>>) dst(%dma_wait3A_422 : memref<1318912xf32, #tpu.memory_space<vmem_shared>>)
        %dma_wait3A_423 = arith.constant 0 : i32
        %dma_wait3A_424 = tpu.memref_slice %arg8[%add3A_331, %dma_wait3A_423] : memref<80x128xi32, #tpu.memory_space<vmem>> -> memref<1x128xi32, #tpu.memory_space<vmem>>
        %dma_wait3A_425 = tpu.memref_squeeze %dma_wait3A_424 : memref<1x128xi32, #tpu.memory_space<vmem>> -> memref<128xi32, #tpu.memory_space<vmem>>
        %dma_wait3A_426 = arith.constant 0 : i32
        %dma_wait3A_427 = tpu.memref_slice %arg9[%dma_wait3A_426] : memref<1318912xf32, #tpu.memory_space<vmem_shared>> -> memref<1318912xf32, #tpu.memory_space<vmem_shared>>
        tpu.wait_indirect_dma semaphore(%arg10 : memref<!tpu.dma_semaphore, #tpu.memory_space<semaphore_mem>>) src(%arg7 : memref<128xf32, #tpu.memory_space<vmem>>) dst(%dma_wait3A_427 : memref<1318912xf32, #tpu.memory_space<vmem_shared>>)
        %dma_wait3A_428 = arith.constant 0 : i32
        %dma_wait3A_429 = tpu.memref_slice %arg8[%add3A_340, %dma_wait3A_428] : memref<80x128xi32, #tpu.memory_space<vmem>> -> memref<1x128xi32, #tpu.memory_space<vmem>>
        %dma_wait3A_430 = tpu.memref_squeeze %dma_wait3A_429 : memref<1x128xi32, #tpu.memory_space<vmem>> -> memref<128xi32, #tpu.memory_space<vmem>>
        %dma_wait3A_431 = arith.constant 0 : i32
        %dma_wait3A_432 = tpu.memref_slice %arg9[%dma_wait3A_431] : memref<1318912xf32, #tpu.memory_space<vmem_shared>> -> memref<1318912xf32, #tpu.memory_space<vmem_shared>>
        tpu.wait_indirect_dma semaphore(%arg10 : memref<!tpu.dma_semaphore, #tpu.memory_space<semaphore_mem>>) src(%arg7 : memref<128xf32, #tpu.memory_space<vmem>>) dst(%dma_wait3A_432 : memref<1318912xf32, #tpu.memory_space<vmem_shared>>)
        %dma_wait3A_433 = arith.constant 0 : i32
        %dma_wait3A_434 = tpu.memref_slice %arg8[%add3A_349, %dma_wait3A_433] : memref<80x128xi32, #tpu.memory_space<vmem>> -> memref<1x128xi32, #tpu.memory_space<vmem>>
        %dma_wait3A_435 = tpu.memref_squeeze %dma_wait3A_434 : memref<1x128xi32, #tpu.memory_space<vmem>> -> memref<128xi32, #tpu.memory_space<vmem>>
        %dma_wait3A_436 = arith.constant 0 : i32
        %dma_wait3A_437 = tpu.memref_slice %arg9[%dma_wait3A_436] : memref<1318912xf32, #tpu.memory_space<vmem_shared>> -> memref<1318912xf32, #tpu.memory_space<vmem_shared>>
        tpu.wait_indirect_dma semaphore(%arg10 : memref<!tpu.dma_semaphore, #tpu.memory_space<semaphore_mem>>) src(%arg7 : memref<128xf32, #tpu.memory_space<vmem>>) dst(%dma_wait3A_437 : memref<1318912xf32, #tpu.memory_space<vmem_shared>>)
        %dma_wait3A_438 = arith.constant 0 : i32
        %dma_wait3A_439 = tpu.memref_slice %arg8[%add3A_358, %dma_wait3A_438] : memref<80x128xi32, #tpu.memory_space<vmem>> -> memref<1x128xi32, #tpu.memory_space<vmem>>
        %dma_wait3A_440 = tpu.memref_squeeze %dma_wait3A_439 : memref<1x128xi32, #tpu.memory_space<vmem>> -> memref<128xi32, #tpu.memory_space<vmem>>
        %dma_wait3A_441 = arith.constant 0 : i32
        %dma_wait3A_442 = tpu.memref_slice %arg9[%dma_wait3A_441] : memref<1318912xf32, #tpu.memory_space<vmem_shared>> -> memref<1318912xf32, #tpu.memory_space<vmem_shared>>
        tpu.wait_indirect_dma semaphore(%arg10 : memref<!tpu.dma_semaphore, #tpu.memory_space<semaphore_mem>>) src(%arg7 : memref<128xf32, #tpu.memory_space<vmem>>) dst(%dma_wait3A_442 : memref<1318912xf32, #tpu.memory_space<vmem_shared>>)
      }
      %scan3A_210 = arith.constant 5 : i32
      %barrier3A_211 = arith.constant 0 : index
      tpu.barrier barrier_id(%barrier3A_211)
      %mul3A_212 = arith.constant 26214400 : i32
      %mul3A_213 = arith.muli %select_n3A, %mul3A_212 : i32
      %add3A_214 = arith.addi %mul3A_213, %mul3A_196 : i32
      %mul3A_215 = arith.constant 81920 : i32
      %mul3A_216 = arith.muli %arg1, %mul3A_215 : i32
      %add3A_217 = arith.addi %add3A_214, %mul3A_216 : i32
      %mul3A_218 = arith.constant 81920 : i32
      %mul3A_219 = arith.muli %arg1, %mul3A_218 : i32
      "tpu.region"() ({
        %run_scoped3A = tpu.sem_alloc : memref<!tpu.dma_semaphore, #tpu.memory_space<semaphore_mem>>
        %dma_start3A = tpu.memref_slice %arg5[%add3A_217] : memref<52428800xf32, #tpu.memory_space<hbm>> -> memref<81920xf32, #tpu.memory_space<hbm>>
        %dma_start3A_220 = tpu.memref_slice %arg9[%mul3A_219] : memref<1318912xf32, #tpu.memory_space<vmem_shared>> -> memref<81920xf32, #tpu.memory_space<vmem_shared>>
        tpu.enqueue_dma source(%dma_start3A_220 : memref<81920xf32, #tpu.memory_space<vmem_shared>>) target(%dma_start3A : memref<81920xf32, #tpu.memory_space<hbm>>) target_semaphore(%run_scoped3A : memref<!tpu.dma_semaphore, #tpu.memory_space<semaphore_mem>>)
        %dma_wait3A = tpu.memref_slice %arg5[%add3A_217] : memref<52428800xf32, #tpu.memory_space<hbm>> -> memref<81920xf32, #tpu.memory_space<hbm>>
        %dma_wait3A_221 = tpu.memref_slice %arg9[%mul3A_219] : memref<1318912xf32, #tpu.memory_space<vmem_shared>> -> memref<81920xf32, #tpu.memory_space<vmem_shared>>
        tpu.wait_dma2 semaphore(%run_scoped3A : memref<!tpu.dma_semaphore, #tpu.memory_space<semaphore_mem>>) src(%dma_wait3A_221 : memref<81920xf32, #tpu.memory_space<vmem_shared>>) dst(%dma_wait3A : memref<81920xf32, #tpu.memory_space<hbm>>)
        tpu.yield
      }) : () -> ()
    }
    %scan3A_158 = arith.constant 20 : i32
    return
  }
}

module attributes {stable_mosaic.version = 14 : i64} {
  func.func @_linear_body(%arg0: i32, %arg1: memref<512x256xf32, #tpu.memory_space<vmem>>, %arg2: memref<256x256xf32, #tpu.memory_space<vmem>>, %arg3: memref<256x16xf32, #tpu.memory_space<vmem>>, %arg4: memref<512x256xf32, #tpu.memory_space<vmem>>, %arg5: memref<512x16xf32, #tpu.memory_space<vmem>>) attributes {dimension_semantics = [#tpu.dimension_semantics<arbitrary>], iteration_bounds = array<i64: 10>, scalar_prefetch = 0 : i64, scratch_operands = 0 : i64, tpu.core_type = #tpu.core_type<tc>, window_params = [{transform_indices = @transform_0, window_bounds = array<i64: 512, 256>}, {pipeline_mode = #tpu.pipeline_mode<synchronous>, transform_indices = @transform_1, window_bounds = array<i64: 256, 256>}, {pipeline_mode = #tpu.pipeline_mode<synchronous>, transform_indices = @transform_2, window_bounds = array<i64: 256, 16>}, {transform_indices = @transform_3, window_bounds = array<i64: 512, 256>}, {transform_indices = @transform_4, window_bounds = array<i64: 512, 16>}]} {
    %get3A = arith.constant 0 : index
    %get3A_0 = arith.constant 0 : index
    %get3A_1 = vector.load %arg1[%get3A, %get3A_0] : memref<512x256xf32, #tpu.memory_space<vmem>>, vector<512x256xf32>
    %get3A_2 = arith.constant 0 : index
    %get3A_3 = arith.constant 0 : index
    %get3A_4 = vector.load %arg2[%get3A_2, %get3A_3] : memref<256x256xf32, #tpu.memory_space<vmem>>, vector<256x256xf32>
    %dot_general3A = arith.constant dense<0.000000e+00> : vector<512x256xf32>
    %dot_general3A_5 = tpu.matmul %get3A_1, %get3A_4, %dot_general3A {dimension_numbers = #tpu.dot_dimension_numbers<[1], [0], [0], [1], [0, 0, 1, 1], [], []>, transpose_lhs_hint = false} : vector<512x256xf32>, vector<256x256xf32>, vector<512x256xf32> -> vector<512x256xf32>
    %swap3A = arith.constant 0 : index
    %swap3A_6 = arith.constant 0 : index
    %swap3A_7 = vector.load %arg4[%swap3A, %swap3A_6] : memref<512x256xf32, #tpu.memory_space<vmem>>, vector<512x256xf32>
    tpu.vector_store %arg4[%swap3A, %swap3A_6], %dot_general3A_5 {strides = array<i32>} : memref<512x256xf32, #tpu.memory_space<vmem>>, vector<512x256xf32>,
    %get3A_8 = arith.constant 0 : index
    %get3A_9 = arith.constant 0 : index
    %get3A_10 = vector.load %arg3[%get3A_8, %get3A_9] : memref<256x16xf32, #tpu.memory_space<vmem>>, vector<256x16xf32>
    %dot_general3A_11 = arith.constant dense<0.000000e+00> : vector<512x16xf32>
    %dot_general3A_12 = tpu.matmul %dot_general3A_5, %get3A_10, %dot_general3A_11 {dimension_numbers = #tpu.dot_dimension_numbers<[1], [0], [0], [1], [0, 0, 1, 1], [], []>, transpose_lhs_hint = false} : vector<512x256xf32>, vector<256x16xf32>, vector<512x16xf32> -> vector<512x16xf32>
    %swap3A_13 = arith.constant 0 : index
    %swap3A_14 = arith.constant 0 : index
    %swap3A_15 = vector.load %arg5[%swap3A_13, %swap3A_14] : memref<512x16xf32, #tpu.memory_space<vmem>>, vector<512x16xf32>
    tpu.vector_store %arg5[%swap3A_13, %swap3A_14], %dot_general3A_12 {strides = array<i32>} : memref<512x16xf32, #tpu.memory_space<vmem>>, vector<512x16xf32>,
    return
  }
  func.func @transform_0(%arg0: i32) -> (i32, i32) {
    %c0_i32 = arith.constant 0 : i32
    %c0_i32_0 = arith.constant 0 : i32
    return %arg0, %c0_i32 : i32, i32
  }
  func.func @transform_1(%arg0: i32) -> (i32, i32) {
    %c0_i32 = arith.constant 0 : i32
    %c0_i32_0 = arith.constant 0 : i32
    %c0_i32_1 = arith.constant 0 : i32
    return %c0_i32, %c0_i32_0 : i32, i32
  }
  func.func @transform_2(%arg0: i32) -> (i32, i32) {
    %c0_i32 = arith.constant 0 : i32
    %c0_i32_0 = arith.constant 0 : i32
    %c0_i32_1 = arith.constant 0 : i32
    return %c0_i32, %c0_i32_0 : i32, i32
  }
  func.func @transform_3(%arg0: i32) -> (i32, i32) {
    %c0_i32 = arith.constant 0 : i32
    %c0_i32_0 = arith.constant 0 : i32
    return %arg0, %c0_i32 : i32, i32
  }
  func.func @transform_4(%arg0: i32) -> (i32, i32) {
    %c0_i32 = arith.constant 0 : i32
    %c0_i32_0 = arith.constant 0 : i32
    return %arg0, %c0_i32 : i32, i32
  }
}

module attributes {stable_mosaic.version = 14 : i64} {
  func.func @_flash_body(%arg0: i32, %arg1: i32, %arg2: memref<256x512xf32, #tpu.memory_space<vmem>>, %arg3: memref<256x8xf32, #tpu.memory_space<vmem>>, %arg4: memref<8x512xf32, #tpu.memory_space<vmem>>, %arg5: memref<512x256xf32, #tpu.memory_space<vmem>>, %arg6: memref<256x1024xf32, #tpu.memory_space<vmem>>, %arg7: memref<256x8xf32, #tpu.memory_space<vmem>>, %arg8: memref<256x8xf32, #tpu.memory_space<vmem>>, %arg9: memref<256x1024xf32, #tpu.memory_space<vmem>>) attributes {dimension_semantics = [#tpu.dimension_semantics<parallel>, #tpu.dimension_semantics<arbitrary>], iteration_bounds = array<i64: 20, 10>, scalar_prefetch = 0 : i64, scratch_operands = 3 : i64, tpu.core_type = #tpu.core_type<tc>, window_params = [{transform_indices = @transform_0, window_bounds = array<i64: 256, 512>}, {transform_indices = @transform_1, window_bounds = array<i64: 256, 8>}, {transform_indices = @transform_2, window_bounds = array<i64: 8, 512>}, {transform_indices = @transform_3, window_bounds = array<i64: 512, 256>}, {transform_indices = @transform_4, window_bounds = array<i64: 256, 1024>}]} {
    %eq3A = arith.constant 0 : i32
    %eq3A_0 = arith.cmpi eq, %arg1, %eq3A : i32
    %convert_element_type3A = arith.extui %eq3A_0 : i1 to i32
    %cond3A = arith.constant 0 : i32
    %cond3A_1 = arith.cmpi ne, %convert_element_type3A, %cond3A : i32
    scf.if %cond3A_1 {
      %broadcast_in_dim3A_233 = arith.constant 0xFF800000 : f32
      %broadcast_in_dim3A_234 = vector.broadcast %broadcast_in_dim3A_233 : f32 to vector<256x8xf32>
      %swap3A_235 = arith.constant 0 : index
      %swap3A_236 = arith.constant 0 : index
      %swap3A_237 = vector.load %arg7[%swap3A_235, %swap3A_236] : memref<256x8xf32, #tpu.memory_space<vmem>>, vector<256x8xf32>
      tpu.vector_store %arg7[%swap3A_235, %swap3A_236], %broadcast_in_dim3A_234 {strides = array<i32>} : memref<256x8xf32, #tpu.memory_space<vmem>>, vector<256x8xf32>,
      %broadcast_in_dim3A_238 = arith.constant 0.000000e+00 : f32
      %broadcast_in_dim3A_239 = vector.broadcast %broadcast_in_dim3A_238 : f32 to vector<256x8xf32>
      %swap3A_240 = arith.constant 0 : index
      %swap3A_241 = arith.constant 0 : index
      %swap3A_242 = vector.load %arg8[%swap3A_240, %swap3A_241] : memref<256x8xf32, #tpu.memory_space<vmem>>, vector<256x8xf32>
      tpu.vector_store %arg8[%swap3A_240, %swap3A_241], %broadcast_in_dim3A_239 {strides = array<i32>} : memref<256x8xf32, #tpu.memory_space<vmem>>, vector<256x8xf32>,
      %broadcast_in_dim3A_243 = arith.constant 0.000000e+00 : f32
      %broadcast_in_dim3A_244 = vector.broadcast %broadcast_in_dim3A_243 : f32 to vector<256x1024xf32>
      %swap3A_245 = arith.constant 0 : index
      %swap3A_246 = arith.constant 0 : index
      %swap3A_247 = vector.load %arg9[%swap3A_245, %swap3A_246] : memref<256x1024xf32, #tpu.memory_space<vmem>>, vector<256x1024xf32>
      tpu.vector_store %arg9[%swap3A_245, %swap3A_246], %broadcast_in_dim3A_244 {strides = array<i32>} : memref<256x1024xf32, #tpu.memory_space<vmem>>, vector<256x1024xf32>,
    } else {
    }
    %get3A = arith.constant 0 : index
    %get3A_2 = arith.constant 0 : index
    %get3A_3 = vector.load %arg2[%get3A, %get3A_2] : memref<256x512xf32, #tpu.memory_space<vmem>>, vector<256x512xf32>
    %gt3A = arith.constant 0.000000e+00 : f32
    %gt3A_4 = vector.broadcast %gt3A : f32 to vector<256x512xf32>
    %gt3A_5 = arith.cmpf ogt, %get3A_3, %gt3A_4 : vector<256x512xf32>
    %get3A_6 = arith.constant 0 : index
    %get3A_7 = arith.constant 0 : index
    %get3A_8 = vector.load %arg3[%get3A_6, %get3A_7] : memref<256x8xf32, #tpu.memory_space<vmem>>, vector<256x8xf32>
    %get3A_9 = arith.constant 0 : index
    %get3A_10 = arith.constant 0 : index
    %get3A_11 = vector.load %arg4[%get3A_9, %get3A_10] : memref<8x512xf32, #tpu.memory_space<vmem>>, vector<8x512xf32>
    %get3A_12 = arith.constant 0 : index
    %get3A_13 = arith.constant 0 : index
    %get3A_14 = vector.load %arg5[%get3A_12, %get3A_13] : memref<512x256xf32, #tpu.memory_space<vmem>>, vector<512x256xf32>
    %convert_element_type3A_15 = arith.truncf %get3A_14 : vector<512x256xf32> to vector<512x256xbf16>
    %get3A_16 = arith.constant 0 : index
    %get3A_17 = arith.constant 0 : index
    %get3A_18 = vector.load %arg7[%get3A_16, %get3A_17] : memref<256x8xf32, #tpu.memory_space<vmem>>, vector<256x8xf32>
    %get3A_19 = arith.constant 0 : index
    %get3A_20 = arith.constant 0 : index
    %get3A_21 = vector.load %arg8[%get3A_19, %get3A_20] : memref<256x8xf32, #tpu.memory_space<vmem>>, vector<256x8xf32>
    %slice3A = vector.extract_strided_slice %get3A_8 {offsets = [0, 0], sizes = [256, 1], strides = [1, 1]} : vector<256x8xf32> to vector<256x1xf32>
    %slice3A_22 = vector.extract_strided_slice %get3A_11 {offsets = [0, 0], sizes = [1, 512], strides = [1, 1]} : vector<8x512xf32> to vector<1x512xf32>
    %add3A = vector.broadcast %slice3A : vector<256x1xf32> to vector<256x512xf32>
    %add3A_23 = vector.broadcast %slice3A_22 : vector<1x512xf32> to vector<256x512xf32>
    %add3A_24 = arith.addf %add3A, %add3A_23 : vector<256x512xf32>
    %ge3A = arith.constant 0.000000e+00 : f32
    %ge3A_25 = vector.broadcast %ge3A : f32 to vector<256x512xf32>
    %ge3A_26 = arith.cmpf oge, %add3A_24, %ge3A_25 : vector<256x512xf32>
    %mul3A = arith.constant 0.00999999977 : f32
    %mul3A_27 = vector.broadcast %mul3A : f32 to vector<256x512xf32>
    %mul3A_28 = arith.mulf %mul3A_27, %add3A_24 : vector<256x512xf32>
    %select_n3A = arith.select %ge3A_26, %add3A_24, %mul3A_28 : vector<256x512xi1>, vector<256x512xf32>
    %jit3A = arith.constant 0xFF800000 : f32
    %broadcast_in_dim3A = vector.broadcast %jit3A : f32 to vector<256x512xf32>
    %select_n3A_29 = arith.select %gt3A_5, %select_n3A, %broadcast_in_dim3A : vector<256x512xi1>, vector<256x512xf32>
    %reduce_max3A = arith.constant dense<0xFF800000> : vector<256xf32>
    %reduce_max3A_30 = vector.multi_reduction <maximumf>, %select_n3A_29, %reduce_max3A [1] : vector<256x512xf32> to vector<256xf32>
    %broadcast_in_dim3A_31 = vector.shape_cast %reduce_max3A_30 : vector<256xf32> to vector<256x1xf32>
    %slice3A_32 = vector.extract_strided_slice %get3A_18 {offsets = [0, 0], sizes = [256, 1], strides = [1, 1]} : vector<256x8xf32> to vector<256x1xf32>
    %max3A = arith.maximumf %slice3A_32, %broadcast_in_dim3A_31 : vector<256x1xf32>
    %is_finite3A = tpu.weird %max3A : vector<256x1xf32> -> vector<256x1xi1>
    %is_finite3A_33 = arith.constant dense<true> : vector<256x1xi1>
    %is_finite3A_34 = arith.xori %is_finite3A, %is_finite3A_33 : vector<256x1xi1>
    %jit3A_35 = arith.constant 0.000000e+00 : f32
    %broadcast_in_dim3A_36 = vector.broadcast %jit3A_35 : f32 to vector<256x1xf32>
    %select_n3A_37 = arith.select %is_finite3A_34, %max3A, %broadcast_in_dim3A_36 : vector<256x1xi1>, vector<256x1xf32>
    %sub3A = vector.broadcast %select_n3A_37 : vector<256x1xf32> to vector<256x512xf32>
    %sub3A_38 = arith.subf %select_n3A_29, %sub3A : vector<256x512xf32>
    %exp3A = math.exp %sub3A_38 : vector<256x512xf32>
    %mul3A_39 = arith.mulf %get3A_3, %exp3A : vector<256x512xf32>
    %jit3A_40 = arith.constant 0.000000e+00 : f32
    %broadcast_in_dim3A_41 = vector.broadcast %jit3A_40 : f32 to vector<256x512xf32>
    %select_n3A_42 = arith.select %gt3A_5, %mul3A_39, %broadcast_in_dim3A_41 : vector<256x512xi1>, vector<256x512xf32>
    %sub3A_43 = arith.subf %slice3A_32, %select_n3A_37 : vector<256x1xf32>
    %exp3A_44 = math.exp %sub3A_43 : vector<256x1xf32>
    %slice3A_45 = vector.extract_strided_slice %get3A_21 {offsets = [0, 0], sizes = [256, 1], strides = [1, 1]} : vector<256x8xf32> to vector<256x1xf32>
    %mul3A_46 = arith.mulf %slice3A_45, %exp3A_44 : vector<256x1xf32>
    %reduce_sum3A = arith.constant dense<0.000000e+00> : vector<256xf32>
    %reduce_sum3A_47 = vector.multi_reduction <add>, %select_n3A_42, %reduce_sum3A [1] : vector<256x512xf32> to vector<256xf32>
    %broadcast_in_dim3A_48 = vector.shape_cast %reduce_sum3A_47 : vector<256xf32> to vector<256x1xf32>
    %add3A_49 = arith.addf %mul3A_46, %broadcast_in_dim3A_48 : vector<256x1xf32>
    %get3A_50 = arith.constant 0 : index
    %get3A_51 = arith.constant 0 : index
    %get3A_52 = vector.load %arg9[%get3A_50, %get3A_51] : memref<256x1024xf32, #tpu.memory_space<vmem>>, vector<256x256xf32>
    %mul3A_53 = vector.broadcast %exp3A_44 : vector<256x1xf32> to vector<256x256xf32>
    %mul3A_54 = arith.mulf %get3A_52, %mul3A_53 : vector<256x256xf32>
    %convert_element_type3A_55 = arith.truncf %select_n3A_42 : vector<256x512xf32> to vector<256x512xbf16>
    %dot_general3A = arith.constant dense<0.000000e+00> : vector<256x256xf32>
    %dot_general3A_56 = tpu.matmul %convert_element_type3A_55, %convert_element_type3A_15, %dot_general3A {dimension_numbers = #tpu.dot_dimension_numbers<[1], [0], [0], [1], [0, 0, 1, 1], [], []>, transpose_lhs_hint = false} : vector<256x512xbf16>, vector<512x256xbf16>, vector<256x256xf32> -> vector<256x256xf32>
    %add3A_57 = arith.addf %mul3A_54, %dot_general3A_56 : vector<256x256xf32>
    %swap3A = arith.constant 0 : index
    %swap3A_58 = arith.constant 0 : index
    %swap3A_59 = vector.load %arg9[%swap3A, %swap3A_58] : memref<256x1024xf32, #tpu.memory_space<vmem>>, vector<256x256xf32>
    tpu.vector_store %arg9[%swap3A, %swap3A_58], %add3A_57 {strides = array<i32>} : memref<256x1024xf32, #tpu.memory_space<vmem>>, vector<256x256xf32>,
    %slice3A_60 = vector.extract_strided_slice %get3A_8 {offsets = [0, 1], sizes = [256, 1], strides = [1, 1]} : vector<256x8xf32> to vector<256x1xf32>
    %slice3A_61 = vector.extract_strided_slice %get3A_11 {offsets = [1, 0], sizes = [1, 512], strides = [1, 1]} : vector<8x512xf32> to vector<1x512xf32>
    %add3A_62 = vector.broadcast %slice3A_60 : vector<256x1xf32> to vector<256x512xf32>
    %add3A_63 = vector.broadcast %slice3A_61 : vector<1x512xf32> to vector<256x512xf32>
    %add3A_64 = arith.addf %add3A_62, %add3A_63 : vector<256x512xf32>
    %ge3A_65 = arith.constant 0.000000e+00 : f32
    %ge3A_66 = vector.broadcast %ge3A_65 : f32 to vector<256x512xf32>
    %ge3A_67 = arith.cmpf oge, %add3A_64, %ge3A_66 : vector<256x512xf32>
    %mul3A_68 = arith.constant 0.00999999977 : f32
    %mul3A_69 = vector.broadcast %mul3A_68 : f32 to vector<256x512xf32>
    %mul3A_70 = arith.mulf %mul3A_69, %add3A_64 : vector<256x512xf32>
    %select_n3A_71 = arith.select %ge3A_67, %add3A_64, %mul3A_70 : vector<256x512xi1>, vector<256x512xf32>
    %jit3A_72 = arith.constant 0xFF800000 : f32
    %broadcast_in_dim3A_73 = vector.broadcast %jit3A_72 : f32 to vector<256x512xf32>
    %select_n3A_74 = arith.select %gt3A_5, %select_n3A_71, %broadcast_in_dim3A_73 : vector<256x512xi1>, vector<256x512xf32>
    %reduce_max3A_75 = arith.constant dense<0xFF800000> : vector<256xf32>
    %reduce_max3A_76 = vector.multi_reduction <maximumf>, %select_n3A_74, %reduce_max3A_75 [1] : vector<256x512xf32> to vector<256xf32>
    %broadcast_in_dim3A_77 = vector.shape_cast %reduce_max3A_76 : vector<256xf32> to vector<256x1xf32>
    %slice3A_78 = vector.extract_strided_slice %get3A_18 {offsets = [0, 1], sizes = [256, 1], strides = [1, 1]} : vector<256x8xf32> to vector<256x1xf32>
    %max3A_79 = arith.maximumf %slice3A_78, %broadcast_in_dim3A_77 : vector<256x1xf32>
    %is_finite3A_80 = tpu.weird %max3A_79 : vector<256x1xf32> -> vector<256x1xi1>
    %is_finite3A_81 = arith.constant dense<true> : vector<256x1xi1>
    %is_finite3A_82 = arith.xori %is_finite3A_80, %is_finite3A_81 : vector<256x1xi1>
    %jit3A_83 = arith.constant 0.000000e+00 : f32
    %broadcast_in_dim3A_84 = vector.broadcast %jit3A_83 : f32 to vector<256x1xf32>
    %select_n3A_85 = arith.select %is_finite3A_82, %max3A_79, %broadcast_in_dim3A_84 : vector<256x1xi1>, vector<256x1xf32>
    %sub3A_86 = vector.broadcast %select_n3A_85 : vector<256x1xf32> to vector<256x512xf32>
    %sub3A_87 = arith.subf %select_n3A_74, %sub3A_86 : vector<256x512xf32>
    %exp3A_88 = math.exp %sub3A_87 : vector<256x512xf32>
    %mul3A_89 = arith.mulf %get3A_3, %exp3A_88 : vector<256x512xf32>
    %jit3A_90 = arith.constant 0.000000e+00 : f32
    %broadcast_in_dim3A_91 = vector.broadcast %jit3A_90 : f32 to vector<256x512xf32>
    %select_n3A_92 = arith.select %gt3A_5, %mul3A_89, %broadcast_in_dim3A_91 : vector<256x512xi1>, vector<256x512xf32>
    %sub3A_93 = arith.subf %slice3A_78, %select_n3A_85 : vector<256x1xf32>
    %exp3A_94 = math.exp %sub3A_93 : vector<256x1xf32>
    %slice3A_95 = vector.extract_strided_slice %get3A_21 {offsets = [0, 1], sizes = [256, 1], strides = [1, 1]} : vector<256x8xf32> to vector<256x1xf32>
    %mul3A_96 = arith.mulf %slice3A_95, %exp3A_94 : vector<256x1xf32>
    %reduce_sum3A_97 = arith.constant dense<0.000000e+00> : vector<256xf32>
    %reduce_sum3A_98 = vector.multi_reduction <add>, %select_n3A_92, %reduce_sum3A_97 [1] : vector<256x512xf32> to vector<256xf32>
    %broadcast_in_dim3A_99 = vector.shape_cast %reduce_sum3A_98 : vector<256xf32> to vector<256x1xf32>
    %add3A_100 = arith.addf %mul3A_96, %broadcast_in_dim3A_99 : vector<256x1xf32>
    %get3A_101 = arith.constant 0 : index
    %get3A_102 = arith.constant 256 : index
    %get3A_103 = vector.load %arg9[%get3A_101, %get3A_102] : memref<256x1024xf32, #tpu.memory_space<vmem>>, vector<256x256xf32>
    %mul3A_104 = vector.broadcast %exp3A_94 : vector<256x1xf32> to vector<256x256xf32>
    %mul3A_105 = arith.mulf %get3A_103, %mul3A_104 : vector<256x256xf32>
    %convert_element_type3A_106 = arith.truncf %select_n3A_92 : vector<256x512xf32> to vector<256x512xbf16>
    %dot_general3A_107 = arith.constant dense<0.000000e+00> : vector<256x256xf32>
    %dot_general3A_108 = tpu.matmul %convert_element_type3A_106, %convert_element_type3A_15, %dot_general3A_107 {dimension_numbers = #tpu.dot_dimension_numbers<[1], [0], [0], [1], [0, 0, 1, 1], [], []>, transpose_lhs_hint = false} : vector<256x512xbf16>, vector<512x256xbf16>, vector<256x256xf32> -> vector<256x256xf32>
    %add3A_109 = arith.addf %mul3A_105, %dot_general3A_108 : vector<256x256xf32>
    %swap3A_110 = arith.constant 0 : index
    %swap3A_111 = arith.constant 256 : index
    %swap3A_112 = vector.load %arg9[%swap3A_110, %swap3A_111] : memref<256x1024xf32, #tpu.memory_space<vmem>>, vector<256x256xf32>
    tpu.vector_store %arg9[%swap3A_110, %swap3A_111], %add3A_109 {strides = array<i32>} : memref<256x1024xf32, #tpu.memory_space<vmem>>, vector<256x256xf32>,
    %slice3A_113 = vector.extract_strided_slice %get3A_8 {offsets = [0, 2], sizes = [256, 1], strides = [1, 1]} : vector<256x8xf32> to vector<256x1xf32>
    %slice3A_114 = vector.extract_strided_slice %get3A_11 {offsets = [2, 0], sizes = [1, 512], strides = [1, 1]} : vector<8x512xf32> to vector<1x512xf32>
    %add3A_115 = vector.broadcast %slice3A_113 : vector<256x1xf32> to vector<256x512xf32>
    %add3A_116 = vector.broadcast %slice3A_114 : vector<1x512xf32> to vector<256x512xf32>
    %add3A_117 = arith.addf %add3A_115, %add3A_116 : vector<256x512xf32>
    %ge3A_118 = arith.constant 0.000000e+00 : f32
    %ge3A_119 = vector.broadcast %ge3A_118 : f32 to vector<256x512xf32>
    %ge3A_120 = arith.cmpf oge, %add3A_117, %ge3A_119 : vector<256x512xf32>
    %mul3A_121 = arith.constant 0.00999999977 : f32
    %mul3A_122 = vector.broadcast %mul3A_121 : f32 to vector<256x512xf32>
    %mul3A_123 = arith.mulf %mul3A_122, %add3A_117 : vector<256x512xf32>
    %select_n3A_124 = arith.select %ge3A_120, %add3A_117, %mul3A_123 : vector<256x512xi1>, vector<256x512xf32>
    %jit3A_125 = arith.constant 0xFF800000 : f32
    %broadcast_in_dim3A_126 = vector.broadcast %jit3A_125 : f32 to vector<256x512xf32>
    %select_n3A_127 = arith.select %gt3A_5, %select_n3A_124, %broadcast_in_dim3A_126 : vector<256x512xi1>, vector<256x512xf32>
    %reduce_max3A_128 = arith.constant dense<0xFF800000> : vector<256xf32>
    %reduce_max3A_129 = vector.multi_reduction <maximumf>, %select_n3A_127, %reduce_max3A_128 [1] : vector<256x512xf32> to vector<256xf32>
    %broadcast_in_dim3A_130 = vector.shape_cast %reduce_max3A_129 : vector<256xf32> to vector<256x1xf32>
    %slice3A_131 = vector.extract_strided_slice %get3A_18 {offsets = [0, 2], sizes = [256, 1], strides = [1, 1]} : vector<256x8xf32> to vector<256x1xf32>
    %max3A_132 = arith.maximumf %slice3A_131, %broadcast_in_dim3A_130 : vector<256x1xf32>
    %is_finite3A_133 = tpu.weird %max3A_132 : vector<256x1xf32> -> vector<256x1xi1>
    %is_finite3A_134 = arith.constant dense<true> : vector<256x1xi1>
    %is_finite3A_135 = arith.xori %is_finite3A_133, %is_finite3A_134 : vector<256x1xi1>
    %jit3A_136 = arith.constant 0.000000e+00 : f32
    %broadcast_in_dim3A_137 = vector.broadcast %jit3A_136 : f32 to vector<256x1xf32>
    %select_n3A_138 = arith.select %is_finite3A_135, %max3A_132, %broadcast_in_dim3A_137 : vector<256x1xi1>, vector<256x1xf32>
    %sub3A_139 = vector.broadcast %select_n3A_138 : vector<256x1xf32> to vector<256x512xf32>
    %sub3A_140 = arith.subf %select_n3A_127, %sub3A_139 : vector<256x512xf32>
    %exp3A_141 = math.exp %sub3A_140 : vector<256x512xf32>
    %mul3A_142 = arith.mulf %get3A_3, %exp3A_141 : vector<256x512xf32>
    %jit3A_143 = arith.constant 0.000000e+00 : f32
    %broadcast_in_dim3A_144 = vector.broadcast %jit3A_143 : f32 to vector<256x512xf32>
    %select_n3A_145 = arith.select %gt3A_5, %mul3A_142, %broadcast_in_dim3A_144 : vector<256x512xi1>, vector<256x512xf32>
    %sub3A_146 = arith.subf %slice3A_131, %select_n3A_138 : vector<256x1xf32>
    %exp3A_147 = math.exp %sub3A_146 : vector<256x1xf32>
    %slice3A_148 = vector.extract_strided_slice %get3A_21 {offsets = [0, 2], sizes = [256, 1], strides = [1, 1]} : vector<256x8xf32> to vector<256x1xf32>
    %mul3A_149 = arith.mulf %slice3A_148, %exp3A_147 : vector<256x1xf32>
    %reduce_sum3A_150 = arith.constant dense<0.000000e+00> : vector<256xf32>
    %reduce_sum3A_151 = vector.multi_reduction <add>, %select_n3A_145, %reduce_sum3A_150 [1] : vector<256x512xf32> to vector<256xf32>
    %broadcast_in_dim3A_152 = vector.shape_cast %reduce_sum3A_151 : vector<256xf32> to vector<256x1xf32>
    %add3A_153 = arith.addf %mul3A_149, %broadcast_in_dim3A_152 : vector<256x1xf32>
    %get3A_154 = arith.constant 0 : index
    %get3A_155 = arith.constant 512 : index
    %get3A_156 = vector.load %arg9[%get3A_154, %get3A_155] : memref<256x1024xf32, #tpu.memory_space<vmem>>, vector<256x256xf32>
    %mul3A_157 = vector.broadcast %exp3A_147 : vector<256x1xf32> to vector<256x256xf32>
    %mul3A_158 = arith.mulf %get3A_156, %mul3A_157 : vector<256x256xf32>
    %convert_element_type3A_159 = arith.truncf %select_n3A_145 : vector<256x512xf32> to vector<256x512xbf16>
    %dot_general3A_160 = arith.constant dense<0.000000e+00> : vector<256x256xf32>
    %dot_general3A_161 = tpu.matmul %convert_element_type3A_159, %convert_element_type3A_15, %dot_general3A_160 {dimension_numbers = #tpu.dot_dimension_numbers<[1], [0], [0], [1], [0, 0, 1, 1], [], []>, transpose_lhs_hint = false} : vector<256x512xbf16>, vector<512x256xbf16>, vector<256x256xf32> -> vector<256x256xf32>
    %add3A_162 = arith.addf %mul3A_158, %dot_general3A_161 : vector<256x256xf32>
    %swap3A_163 = arith.constant 0 : index
    %swap3A_164 = arith.constant 512 : index
    %swap3A_165 = vector.load %arg9[%swap3A_163, %swap3A_164] : memref<256x1024xf32, #tpu.memory_space<vmem>>, vector<256x256xf32>
    tpu.vector_store %arg9[%swap3A_163, %swap3A_164], %add3A_162 {strides = array<i32>} : memref<256x1024xf32, #tpu.memory_space<vmem>>, vector<256x256xf32>,
    %slice3A_166 = vector.extract_strided_slice %get3A_8 {offsets = [0, 3], sizes = [256, 1], strides = [1, 1]} : vector<256x8xf32> to vector<256x1xf32>
    %slice3A_167 = vector.extract_strided_slice %get3A_11 {offsets = [3, 0], sizes = [1, 512], strides = [1, 1]} : vector<8x512xf32> to vector<1x512xf32>
    %add3A_168 = vector.broadcast %slice3A_166 : vector<256x1xf32> to vector<256x512xf32>
    %add3A_169 = vector.broadcast %slice3A_167 : vector<1x512xf32> to vector<256x512xf32>
    %add3A_170 = arith.addf %add3A_168, %add3A_169 : vector<256x512xf32>
    %ge3A_171 = arith.constant 0.000000e+00 : f32
    %ge3A_172 = vector.broadcast %ge3A_171 : f32 to vector<256x512xf32>
    %ge3A_173 = arith.cmpf oge, %add3A_170, %ge3A_172 : vector<256x512xf32>
    %mul3A_174 = arith.constant 0.00999999977 : f32
    %mul3A_175 = vector.broadcast %mul3A_174 : f32 to vector<256x512xf32>
    %mul3A_176 = arith.mulf %mul3A_175, %add3A_170 : vector<256x512xf32>
    %select_n3A_177 = arith.select %ge3A_173, %add3A_170, %mul3A_176 : vector<256x512xi1>, vector<256x512xf32>
    %jit3A_178 = arith.constant 0xFF800000 : f32
    %broadcast_in_dim3A_179 = vector.broadcast %jit3A_178 : f32 to vector<256x512xf32>
    %select_n3A_180 = arith.select %gt3A_5, %select_n3A_177, %broadcast_in_dim3A_179 : vector<256x512xi1>, vector<256x512xf32>
    %reduce_max3A_181 = arith.constant dense<0xFF800000> : vector<256xf32>
    %reduce_max3A_182 = vector.multi_reduction <maximumf>, %select_n3A_180, %reduce_max3A_181 [1] : vector<256x512xf32> to vector<256xf32>
    %broadcast_in_dim3A_183 = vector.shape_cast %reduce_max3A_182 : vector<256xf32> to vector<256x1xf32>
    %slice3A_184 = vector.extract_strided_slice %get3A_18 {offsets = [0, 3], sizes = [256, 1], strides = [1, 1]} : vector<256x8xf32> to vector<256x1xf32>
    %max3A_185 = arith.maximumf %slice3A_184, %broadcast_in_dim3A_183 : vector<256x1xf32>
    %is_finite3A_186 = tpu.weird %max3A_185 : vector<256x1xf32> -> vector<256x1xi1>
    %is_finite3A_187 = arith.constant dense<true> : vector<256x1xi1>
    %is_finite3A_188 = arith.xori %is_finite3A_186, %is_finite3A_187 : vector<256x1xi1>
    %jit3A_189 = arith.constant 0.000000e+00 : f32
    %broadcast_in_dim3A_190 = vector.broadcast %jit3A_189 : f32 to vector<256x1xf32>
    %select_n3A_191 = arith.select %is_finite3A_188, %max3A_185, %broadcast_in_dim3A_190 : vector<256x1xi1>, vector<256x1xf32>
    %sub3A_192 = vector.broadcast %select_n3A_191 : vector<256x1xf32> to vector<256x512xf32>
    %sub3A_193 = arith.subf %select_n3A_180, %sub3A_192 : vector<256x512xf32>
    %exp3A_194 = math.exp %sub3A_193 : vector<256x512xf32>
    %mul3A_195 = arith.mulf %get3A_3, %exp3A_194 : vector<256x512xf32>
    %jit3A_196 = arith.constant 0.000000e+00 : f32
    %broadcast_in_dim3A_197 = vector.broadcast %jit3A_196 : f32 to vector<256x512xf32>
    %select_n3A_198 = arith.select %gt3A_5, %mul3A_195, %broadcast_in_dim3A_197 : vector<256x512xi1>, vector<256x512xf32>
    %sub3A_199 = arith.subf %slice3A_184, %select_n3A_191 : vector<256x1xf32>
    %exp3A_200 = math.exp %sub3A_199 : vector<256x1xf32>
    %slice3A_201 = vector.extract_strided_slice %get3A_21 {offsets = [0, 3], sizes = [256, 1], strides = [1, 1]} : vector<256x8xf32> to vector<256x1xf32>
    %mul3A_202 = arith.mulf %slice3A_201, %exp3A_200 : vector<256x1xf32>
    %reduce_sum3A_203 = arith.constant dense<0.000000e+00> : vector<256xf32>
    %reduce_sum3A_204 = vector.multi_reduction <add>, %select_n3A_198, %reduce_sum3A_203 [1] : vector<256x512xf32> to vector<256xf32>
    %broadcast_in_dim3A_205 = vector.shape_cast %reduce_sum3A_204 : vector<256xf32> to vector<256x1xf32>
    %add3A_206 = arith.addf %mul3A_202, %broadcast_in_dim3A_205 : vector<256x1xf32>
    %get3A_207 = arith.constant 0 : index
    %get3A_208 = arith.constant 768 : index
    %get3A_209 = vector.load %arg9[%get3A_207, %get3A_208] : memref<256x1024xf32, #tpu.memory_space<vmem>>, vector<256x256xf32>
    %mul3A_210 = vector.broadcast %exp3A_200 : vector<256x1xf32> to vector<256x256xf32>
    %mul3A_211 = arith.mulf %get3A_209, %mul3A_210 : vector<256x256xf32>
    %convert_element_type3A_212 = arith.truncf %select_n3A_198 : vector<256x512xf32> to vector<256x512xbf16>
    %dot_general3A_213 = arith.constant dense<0.000000e+00> : vector<256x256xf32>
    %dot_general3A_214 = tpu.matmul %convert_element_type3A_212, %convert_element_type3A_15, %dot_general3A_213 {dimension_numbers = #tpu.dot_dimension_numbers<[1], [0], [0], [1], [0, 0, 1, 1], [], []>, transpose_lhs_hint = false} : vector<256x512xbf16>, vector<512x256xbf16>, vector<256x256xf32> -> vector<256x256xf32>
    %add3A_215 = arith.addf %mul3A_211, %dot_general3A_214 : vector<256x256xf32>
    %swap3A_216 = arith.constant 0 : index
    %swap3A_217 = arith.constant 768 : index
    %swap3A_218 = vector.load %arg9[%swap3A_216, %swap3A_217] : memref<256x1024xf32, #tpu.memory_space<vmem>>, vector<256x256xf32>
    tpu.vector_store %arg9[%swap3A_216, %swap3A_217], %add3A_215 {strides = array<i32>} : memref<256x1024xf32, #tpu.memory_space<vmem>>, vector<256x256xf32>,
    %slice3A_219 = vector.extract_strided_slice %get3A_18 {offsets = [0, 4], sizes = [256, 4], strides = [1, 1]} : vector<256x8xf32> to vector<256x4xf32>
    %concatenate3A = tpu.concatenate %max3A, %max3A_79, %max3A_132, %max3A_185, %slice3A_219 in 1 : vector<256x1xf32>, vector<256x1xf32>, vector<256x1xf32>, vector<256x1xf32>, vector<256x4xf32> -> vector<256x8xf32>
    %swap3A_220 = arith.constant 0 : index
    %swap3A_221 = arith.constant 0 : index
    %swap3A_222 = vector.load %arg7[%swap3A_220, %swap3A_221] : memref<256x8xf32, #tpu.memory_space<vmem>>, vector<256x8xf32>
    tpu.vector_store %arg7[%swap3A_220, %swap3A_221], %concatenate3A {strides = array<i32>} : memref<256x8xf32, #tpu.memory_space<vmem>>, vector<256x8xf32>,
    %slice3A_223 = vector.extract_strided_slice %get3A_21 {offsets = [0, 4], sizes = [256, 4], strides = [1, 1]} : vector<256x8xf32> to vector<256x4xf32>
    %concatenate3A_224 = tpu.concatenate %add3A_49, %add3A_100, %add3A_153, %add3A_206, %slice3A_223 in 1 : vector<256x1xf32>, vector<256x1xf32>, vector<256x1xf32>, vector<256x1xf32>, vector<256x4xf32> -> vector<256x8xf32>
    %swap3A_225 = arith.constant 0 : index
    %swap3A_226 = arith.constant 0 : index
    %swap3A_227 = vector.load %arg8[%swap3A_225, %swap3A_226] : memref<256x8xf32, #tpu.memory_space<vmem>>, vector<256x8xf32>
    tpu.vector_store %arg8[%swap3A_225, %swap3A_226], %concatenate3A_224 {strides = array<i32>} : memref<256x8xf32, #tpu.memory_space<vmem>>, vector<256x8xf32>,
    %eq3A_228 = arith.constant 9 : i32
    %eq3A_229 = arith.cmpi eq, %arg1, %eq3A_228 : i32
    %convert_element_type3A_230 = arith.extui %eq3A_229 : i1 to i32
    %cond3A_231 = arith.constant 0 : i32
    %cond3A_232 = arith.cmpi ne, %convert_element_type3A_230, %cond3A_231 : i32
    scf.if %cond3A_232 {
      %get3A_233 = arith.constant 0 : index
      %get3A_234 = arith.constant 0 : index
      %get3A_235 = vector.load %arg8[%get3A_233, %get3A_234] : memref<256x8xf32, #tpu.memory_space<vmem>>, vector<256x8xf32>
      %get3A_236 = arith.constant 0 : index
      %get3A_237 = arith.constant 0 : index
      %get3A_238 = vector.load %arg9[%get3A_236, %get3A_237] : memref<256x1024xf32, #tpu.memory_space<vmem>>, vector<256x256xf32>
      %slice3A_239 = vector.extract_strided_slice %get3A_235 {offsets = [0, 0], sizes = [256, 1], strides = [1, 1]} : vector<256x8xf32> to vector<256x1xf32>
      %add3A_240 = arith.constant 9.99999971E-10 : f32
      %add3A_241 = vector.broadcast %add3A_240 : f32 to vector<256x1xf32>
      %add3A_242 = arith.addf %slice3A_239, %add3A_241 : vector<256x1xf32>
      %div3A = vector.broadcast %add3A_242 : vector<256x1xf32> to vector<256x256xf32>
      %div3A_243 = arith.divf %get3A_238, %div3A : vector<256x256xf32>
      %gt3A_244 = arith.constant 0.000000e+00 : f32
      %gt3A_245 = vector.broadcast %gt3A_244 : f32 to vector<256x256xf32>
      %gt3A_246 = arith.cmpf ogt, %div3A_243, %gt3A_245 : vector<256x256xf32>
      %exp3A_247 = math.exp %div3A_243 : vector<256x256xf32>
      %sub3A_248 = arith.constant 1.000000e+00 : f32
      %sub3A_249 = vector.broadcast %sub3A_248 : f32 to vector<256x256xf32>
      %sub3A_250 = arith.subf %exp3A_247, %sub3A_249 : vector<256x256xf32>
      %select_n3A_251 = arith.select %gt3A_246, %div3A_243, %sub3A_250 : vector<256x256xi1>, vector<256x256xf32>
      %swap3A_252 = arith.constant 0 : index
      %swap3A_253 = arith.constant 0 : index
      %swap3A_254 = vector.load %arg6[%swap3A_252, %swap3A_253] : memref<256x1024xf32, #tpu.memory_space<vmem>>, vector<256x256xf32>
      tpu.vector_store %arg6[%swap3A_252, %swap3A_253], %select_n3A_251 {strides = array<i32>} : memref<256x1024xf32, #tpu.memory_space<vmem>>, vector<256x256xf32>,
      %get3A_255 = arith.constant 0 : index
      %get3A_256 = arith.constant 256 : index
      %get3A_257 = vector.load %arg9[%get3A_255, %get3A_256] : memref<256x1024xf32, #tpu.memory_space<vmem>>, vector<256x256xf32>
      %slice3A_258 = vector.extract_strided_slice %get3A_235 {offsets = [0, 1], sizes = [256, 1], strides = [1, 1]} : vector<256x8xf32> to vector<256x1xf32>
      %add3A_259 = arith.constant 9.99999971E-10 : f32
      %add3A_260 = vector.broadcast %add3A_259 : f32 to vector<256x1xf32>
      %add3A_261 = arith.addf %slice3A_258, %add3A_260 : vector<256x1xf32>
      %div3A_262 = vector.broadcast %add3A_261 : vector<256x1xf32> to vector<256x256xf32>
      %div3A_263 = arith.divf %get3A_257, %div3A_262 : vector<256x256xf32>
      %gt3A_264 = arith.constant 0.000000e+00 : f32
      %gt3A_265 = vector.broadcast %gt3A_264 : f32 to vector<256x256xf32>
      %gt3A_266 = arith.cmpf ogt, %div3A_263, %gt3A_265 : vector<256x256xf32>
      %exp3A_267 = math.exp %div3A_263 : vector<256x256xf32>
      %sub3A_268 = arith.constant 1.000000e+00 : f32
      %sub3A_269 = vector.broadcast %sub3A_268 : f32 to vector<256x256xf32>
      %sub3A_270 = arith.subf %exp3A_267, %sub3A_269 : vector<256x256xf32>
      %select_n3A_271 = arith.select %gt3A_266, %div3A_263, %sub3A_270 : vector<256x256xi1>, vector<256x256xf32>
      %swap3A_272 = arith.constant 0 : index
      %swap3A_273 = arith.constant 256 : index
      %swap3A_274 = vector.load %arg6[%swap3A_272, %swap3A_273] : memref<256x1024xf32, #tpu.memory_space<vmem>>, vector<256x256xf32>
      tpu.vector_store %arg6[%swap3A_272, %swap3A_273], %select_n3A_271 {strides = array<i32>} : memref<256x1024xf32, #tpu.memory_space<vmem>>, vector<256x256xf32>,
      %get3A_275 = arith.constant 0 : index
      %get3A_276 = arith.constant 512 : index
      %get3A_277 = vector.load %arg9[%get3A_275, %get3A_276] : memref<256x1024xf32, #tpu.memory_space<vmem>>, vector<256x256xf32>
      %slice3A_278 = vector.extract_strided_slice %get3A_235 {offsets = [0, 2], sizes = [256, 1], strides = [1, 1]} : vector<256x8xf32> to vector<256x1xf32>
      %add3A_279 = arith.constant 9.99999971E-10 : f32
      %add3A_280 = vector.broadcast %add3A_279 : f32 to vector<256x1xf32>
      %add3A_281 = arith.addf %slice3A_278, %add3A_280 : vector<256x1xf32>
      %div3A_282 = vector.broadcast %add3A_281 : vector<256x1xf32> to vector<256x256xf32>
      %div3A_283 = arith.divf %get3A_277, %div3A_282 : vector<256x256xf32>
      %gt3A_284 = arith.constant 0.000000e+00 : f32
      %gt3A_285 = vector.broadcast %gt3A_284 : f32 to vector<256x256xf32>
      %gt3A_286 = arith.cmpf ogt, %div3A_283, %gt3A_285 : vector<256x256xf32>
      %exp3A_287 = math.exp %div3A_283 : vector<256x256xf32>
      %sub3A_288 = arith.constant 1.000000e+00 : f32
      %sub3A_289 = vector.broadcast %sub3A_288 : f32 to vector<256x256xf32>
      %sub3A_290 = arith.subf %exp3A_287, %sub3A_289 : vector<256x256xf32>
      %select_n3A_291 = arith.select %gt3A_286, %div3A_283, %sub3A_290 : vector<256x256xi1>, vector<256x256xf32>
      %swap3A_292 = arith.constant 0 : index
      %swap3A_293 = arith.constant 512 : index
      %swap3A_294 = vector.load %arg6[%swap3A_292, %swap3A_293] : memref<256x1024xf32, #tpu.memory_space<vmem>>, vector<256x256xf32>
      tpu.vector_store %arg6[%swap3A_292, %swap3A_293], %select_n3A_291 {strides = array<i32>} : memref<256x1024xf32, #tpu.memory_space<vmem>>, vector<256x256xf32>,
      %get3A_295 = arith.constant 0 : index
      %get3A_296 = arith.constant 768 : index
      %get3A_297 = vector.load %arg9[%get3A_295, %get3A_296] : memref<256x1024xf32, #tpu.memory_space<vmem>>, vector<256x256xf32>
      %slice3A_298 = vector.extract_strided_slice %get3A_235 {offsets = [0, 3], sizes = [256, 1], strides = [1, 1]} : vector<256x8xf32> to vector<256x1xf32>
      %add3A_299 = arith.constant 9.99999971E-10 : f32
      %add3A_300 = vector.broadcast %add3A_299 : f32 to vector<256x1xf32>
      %add3A_301 = arith.addf %slice3A_298, %add3A_300 : vector<256x1xf32>
      %div3A_302 = vector.broadcast %add3A_301 : vector<256x1xf32> to vector<256x256xf32>
      %div3A_303 = arith.divf %get3A_297, %div3A_302 : vector<256x256xf32>
      %gt3A_304 = arith.constant 0.000000e+00 : f32
      %gt3A_305 = vector.broadcast %gt3A_304 : f32 to vector<256x256xf32>
      %gt3A_306 = arith.cmpf ogt, %div3A_303, %gt3A_305 : vector<256x256xf32>
      %exp3A_307 = math.exp %div3A_303 : vector<256x256xf32>
      %sub3A_308 = arith.constant 1.000000e+00 : f32
      %sub3A_309 = vector.broadcast %sub3A_308 : f32 to vector<256x256xf32>
      %sub3A_310 = arith.subf %exp3A_307, %sub3A_309 : vector<256x256xf32>
      %select_n3A_311 = arith.select %gt3A_306, %div3A_303, %sub3A_310 : vector<256x256xi1>, vector<256x256xf32>
      %swap3A_312 = arith.constant 0 : index
      %swap3A_313 = arith.constant 768 : index
      %swap3A_314 = vector.load %arg6[%swap3A_312, %swap3A_313] : memref<256x1024xf32, #tpu.memory_space<vmem>>, vector<256x256xf32>
      tpu.vector_store %arg6[%swap3A_312, %swap3A_313], %select_n3A_311 {strides = array<i32>} : memref<256x1024xf32, #tpu.memory_space<vmem>>, vector<256x256xf32>,
    } else {
    }
    return
  }
  func.func @transform_0(%arg0: i32, %arg1: i32) -> (i32, i32) {
    %c0_i32 = arith.constant 0 : i32
    return %arg0, %arg1 : i32, i32
  }
  func.func @transform_1(%arg0: i32, %arg1: i32) -> (i32, i32) {
    %c0_i32 = arith.constant 0 : i32
    %c0_i32_0 = arith.constant 0 : i32
    return %arg0, %c0_i32 : i32, i32
  }
  func.func @transform_2(%arg0: i32, %arg1: i32) -> (i32, i32) {
    %c0_i32 = arith.constant 0 : i32
    %c0_i32_0 = arith.constant 0 : i32
    return %c0_i32, %arg1 : i32, i32
  }
  func.func @transform_3(%arg0: i32, %arg1: i32) -> (i32, i32) {
    %c0_i32 = arith.constant 0 : i32
    %c0_i32_0 = arith.constant 0 : i32
    return %arg1, %c0_i32 : i32, i32
  }
  func.func @transform_4(%arg0: i32, %arg1: i32) -> (i32, i32) {
    %c0_i32 = arith.constant 0 : i32
    %c0_i32_0 = arith.constant 0 : i32
    return %arg0, %c0_i32 : i32, i32
  }
}

</mosaic_0001>

<sc_bundles>
// kernel: kernel.7.cloned.1.call-start
scs
__scs_entry_jumppad:
0x0: {  	(pc) =	sbr.rel $0x88, $3  }
0x1: {  	(tag) =	ssettag $0x0;
	lr =	simm.s32 $0x1  }
0x2: {  	[smem:$0x3F97] =	sst lr;
	_ =	strace $0xD0000000  }
0x3: {  	_ = 	snop  }
0x4: {  	_ = 	snop  }
0x5: {  	_ = 	snop  }
0x6: {  	_ = 	snop  }
0x7: {  	_ = 	snop  }
__scs_overlays_trampoline_lowered:
0x8: {  	[smem:$0x3FA6] =	sst s0  }
0x9: {  	[smem:$0x3FA7] =	sst s1  }
0xa: {  	[smem:$0x3FA8] =	sst s2  }
0xb: {  	[smem:$0x3FA9] =	sst s3  }
0xc: {  	[smem:$0x3FAA] =	sst s4  }
0xd: {  	[smem:$0x3FAB] =	sst s5  }
0xe: {  	[smem:$0x3FAC] =	sst s6  }
0xf: {  	[smem:$0x3FAD] =	sst s7  }
0x10: {  	[smem:$0x3FAE] =	sst s8  }
0x11: {  	[smem:$0x3FAF] =	sst s9;
	s0 =	simm.s32 @!p0 $0x0  }
0x12: {  	s1 =	sld [smem:$0x3F95];
	s0 =	simm.s32 @p0 $0x1  }
0x13: {  	[smem:$0x3FB0] =	sst s0;
	s0 =	simm.s32 @!p1 $0x0  }
0x14: {  	s2 =	sld [smem:$0x3F94];
	s0 =	simm.s32 @p1 $0x1  }
0x15: {  	[smem:$0x3FB1] =	sst s0;
	s0 =	simm.s32 @!p2 $0x0  }
0x16: {  	s3 =	sld [smem:$0x3FDB];
	s0 =	simm.s32 @p2 $0x1  }
0x17: {  	s4 =	simm.s32 $0x1BF5;
	[smem:$0x3FB3] =	sst s0  }
0x18: {  	s0 =	sld [smem:$0x3F96];
	_ =	swait.ge [sflag:s4], $0x0  }
0x19: {  	s7 =	sld [smem:$0x3F97]  }
0x1a: {  	s8 =	sadd.s32 $0xFFFFE003, lr  }
0x1b: {  	s9 =	sadd.s32 $0xFFFFFEF7, lr;
	s5 =	simm.s32 $0xFFFFFFFF;
	p2 =	slt.u32 s8, $0xFFFFF086  }
0x1c: {  	p1 =	slt.u32 s9, $0xF7A;
	s5 =	simm.s32 @!p2 $0x0  }
0x1d: {  	s5 =	simm.s32 @p1 $0x1;
	p0 =	seq.s32 s7, s2  }
0x1e: {  	s7 =	smul.u32 @!p0 $0xF7A, s2;
	p2 =	seq.s32 @!p0 s5, $0x0  }
0x1f: {  	s9 =	smul.u32 $0xF7A, s1;
	s8 =	simm.s32 @!p0 $0x1BF5;
	p2 =	por !p2, p0  }
0x20: {  	[sflag:s8] =	ssyncset.s32 @!p0 $0xFFFFF086;
	s6 =	sadd.s32 @!p0 s3, s7;
	s7 =	simm.s32 @!p0 $0x108  }
0x21: {  	s3 =	sadd.s32 s3, s9;
	s6 =	sadd.s32 @!p0 $0x88, s6;
	s7 =	simm.s32 @p2 $0x1082  }
0x22: {  	[simem:s7], [sflag:s8] =	dma.local @!p0 [hbm:s6], $0xF7A  }
0x23: {  	s9 =	sor.u32 $0xD0000000, s2;
	s6 =	simm.s32 $0x108;
	_ =	swait.ge @!p0 [sflag:s8], $0x0  }
0x24: {  	s3 =	sadd.s32 $0x88, s3;
	s6 =	simm.s32 @!p1 $0x1082;
	[sflag:s4] =	ssyncset.s32 $0xFFFFF086  }
0x25: {  	[simem:s6], [sflag:s4] =	dma.local [hbm:s3], $0xF7A  }
0x26: {  	[smem:$0x3F97] =	sst s1;
	(tag) =	ssettag s2;
	_ =	strace s9  }
0x27: {  	s1 =	sld [smem:$0x3FA7]  }
0x28: {  	s2 =	sld [smem:$0x3FA8]  }
0x29: {  	s4 =	sld [smem:$0x3FAA]  }
0x2a: {  	p0 =	seq.s32 s5, $0x0;
	s5 =	sld [smem:$0x3FAB]  }
0x2b: {  	s6 =	sld [smem:$0x3FAC]  }
0x2c: {  	s7 =	sld [smem:$0x3FAD]  }
0x2d: {  	s3 =	simm.s32 $0x108;
	s8 =	sld [smem:$0x3FAE]  }
0x2e: {  	s3 =	simm.s32 @!p0 $0x1082;
	s9 =	sld [smem:$0x3FAF]  }
0x2f: {  	lr =	sadd.s32 s0, s3;
	s0 =	sld [smem:$0x3FA6]  }
0x30: {  	s3 =	sld [smem:$0x3FA9]  }
0x31: {  	[smem:$0x3FB2] =	sst s10  }
0x32: {  	s10 =	sld [smem:$0x3FB0];
	_ =	sdelay $0x3  }
0x33: {  	p0 =	seq.s32 s10, $0x1;
	s10 =	sld [smem:$0x3FB2];
	_ =	sdelay $0x3  }
0x34: {  	[smem:$0x3FB2] =	sst s10  }
0x35: {  	s10 =	sld [smem:$0x3FB1];
	_ =	sdelay $0x3  }
0x36: {  	p1 =	seq.s32 s10, $0x1;
	s10 =	sld [smem:$0x3FB2];
	_ =	sdelay $0x3  }
0x37: {  	[smem:$0x3FB2] =	sst s10  }
0x38: {  	s10 =	sld [smem:$0x3FB3]  }
0x39: {  	_ = 	snop;
	(pc) =	sbr.ind lr, $3  }
0x3a: {  	_ = 	snop  }
0x3b: {  	_ = 	snop  }
0x3c: {  	p2 =	seq.s32 s10, $0x1;
	s10 =	sld [smem:$0x3FB2]  }
0x3d: {  	_ =	shalt  }
0x3e: {  	_ =	shalt  }
0x3f: {  	_ =	shalt  }
0x40: {  	_ =	shalt  }
0x41: {  	_ =	shalt  }
0x42: {  	_ =	shalt  }
0x43: {  	_ =	shalt  }
0x44: {  	_ =	shalt  }
0x45: {  	_ =	shalt  }
0x46: {  	_ =	shalt  }
0x47: {  	_ =	shalt  }
0x48: {  	_ =	shalt  }
0x49: {  	_ =	shalt  }
0x4a: {  	_ =	shalt  }
0x4b: {  	_ =	shalt  }
0x4c: {  	_ =	shalt  }
0x4d: {  	_ =	shalt  }
0x4e: {  	_ =	shalt  }
0x4f: {  	_ =	shalt  }
0x50: {  	_ =	shalt  }
0x51: {  	_ =	shalt  }
0x52: {  	_ =	shalt  }
0x53: {  	_ =	shalt  }
0x54: {  	_ =	shalt  }
0x55: {  	_ =	shalt  }
0x56: {  	_ =	shalt  }
0x57: {  	_ =	shalt  }
0x58: {  	_ =	shalt  }
0x59: {  	_ =	shalt  }
0x5a: {  	_ =	shalt  }
0x5b: {  	_ =	shalt  }
0x5c: {  	_ =	shalt  }
0x5d: {  	_ =	shalt  }
0x5e: {  	_ =	shalt  }
0x5f: {  	_ =	shalt  }
0x60: {  	_ =	shalt  }
0x61: {  	_ =	shalt  }
0x62: {  	_ =	shalt  }
0x63: {  	_ =	shalt  }
0x64: {  	_ =	shalt  }
0x65: {  	_ =	shalt  }
0x66: {  	_ =	shalt  }
0x67: {  	_ =	shalt  }
0x68: {  	_ =	shalt  }
0x69: {  	_ =	shalt  }
0x6a: {  	_ =	shalt  }
0x6b: {  	_ =	shalt  }
0x6c: {  	_ =	shalt  }
0x6d: {  	_ =	shalt  }
0x6e: {  	_ =	shalt  }
0x6f: {  	_ =	shalt  }
0x70: {  	_ =	shalt  }
0x71: {  	_ =	shalt  }
0x72: {  	_ =	shalt  }
0x73: {  	_ =	shalt  }
0x74: {  	_ =	shalt  }
0x75: {  	_ =	shalt  }
0x76: {  	_ =	shalt  }
0x77: {  	_ =	shalt  }
0x78: {  	_ =	shalt  }
0x79: {  	_ =	shalt  }
0x7a: {  	_ =	shalt  }
0x7b: {  	_ =	shalt  }
0x7c: {  	_ =	shalt  }
0x7d: {  	_ =	shalt  }
0x7e: {  	_ =	shalt  }
0x7f: {  	_ =	shalt  }
0x80: {  	_ =	shalt  }
0x81: {  	_ =	shalt  }
0x82: {  	_ =	shalt  }
0x83: {  	_ =	shalt  }
0x84: {  	_ =	shalt  }
0x85: {  	_ =	shalt  }
0x86: {  	_ =	shalt  }
0x87: {  	_ =	shalt  }
.Lfunc_end0:
.L_simem_size_0:
called_computation_lowered:
.L_overlay_start_0:
0x88: {  	s2 =	sld [smem:$0x3FD9]  }
0x89: {  	s3 =	sld [smem:$0x3FFE];
	_ =	sdelay $0x1  }
0x8a: {  	s1 =	srdreg.scid  }
0x8b: {  	s0 =	sand.u32 $0x1, s1  }
0x8c: {  	s16 =	sshll.u32 s0, $0xA;
	s2 =	sadd.s32 s3, s2  }
0x8d: {  	s2 =	sadd.s32 s2, s16  }
0x8e: {  	[smem:$0x3FBE] =	sst s2  }
0x8f: {  	_ = 	snop  }
0x90: {  	(tm) =	ssettm $0x1  }
0x91: {  	s17 =	sld [smem:$0x3FFB];
	_ =	sdelay $0x3  }
0x92: {  	_ =	strace s17  }
0x93: {  	s2 =	sld [smem:$0x3FFC];
	_ =	sdelay $0x3  }
0x94: {  	_ =	strace s2  }
0x95: {  	s2 =	sld [smem:$0x3FFD];
	_ =	sdelay $0x3  }
0x96: {  	_ =	strace s2  }
0x97: {  	_ =	strace $0x8FFFFFFF  }
0x98: {  	s18 =	sld [smem:$0x3FDB];
	_ =	sdelay $0x1  }
0x99: {  	s19 =	simm.s32 $_scs_section_size  }
0x9a: {  	s4 =	simm.s32 $_size__tile_overlayer_lowered;
	s5 =	simm.s32 $_tile_overlayer_lowered  }
0x9b: {  	s22 =	simm.s32 $0x1BFF;
	s21 =	sshll.u32 s5, $0x1;
	s2 =	sadd.s32 s19, s18  }
0x9c: {  	s6 =	simm.s32 $0x0;
	s20 =	sshll.u32 s4, $0x1;
	s4 =	sadd.s32 s21, s2  }
0x9d: {  	[timem:s6], [sflag:s22] =	dma.local [hbm:s4], s20  }
0x9e: {  	_ =	swait.ge [sflag:s22], s20  }
0x9f: {  	s3 =	ssub.s32 $0x0, s20;
	[sflag:s22] =	ssyncset.done $0x0  }
0xa0: {  	[sflag:s22] =	ssyncadd.s32 s3;
	_ =	sdelay $0x1  }
0xa1: {  	s23 =	simm.s32 $0x1B8B  }
0xa2: {  	_ =	swait.ge [sflag:s23], $0x1  }
0xa3: {  	[sflag:s23] =	ssyncset.done $0x0  }
0xa4: {  	s25 =	simm.s32 $0x1B8E;
	s24 =	sld [smem:$0x3FFE];
	[sflag:s23] =	ssyncadd.s32 $0xFFFFFFFF  }
0xa5: {  	s26 =	simm.s32 $execute0_lowered;
	[smem:$0x3FD2] =	sst s25  }
0xa6: {  	s4 =	sshll.u32 s26, $0x1;
	_ =	strace $0x80000046;
	[dreg:$0x1] =	wrdreg $0xFFFFFFFF  }
0xa7: {  	s28 =	simm.s32 $_size_execute0_lowered;
	s2 =	sadd.s32 s2, s4;
	[dreg:$0x0] =	wrdreg $0x0  }
0xa8: {  	s4 =	sshll.u32 s28, $0x1;
	[dreg:$0x2] =	wrdreg s2  }
0xa9: {  	[dreg:$0x3] =	wrdreg s4  }
0xaa: {  	[dreg:$0x4] =	wrdreg $0xC0  }
0xab: {  	_ =	task [dreg:s6], $0x5FFFF  }
0xac: {  	[dreg:$0x1] =	wrdreg $0xFFFFFFFF  }
0xad: {  	[dreg:$0x0] =	wrdreg $0x60  }
0xae: {  	[dreg:$0x2] =	wrdreg s24  }
0xaf: {  	[dreg:$0x3] =	wrdreg $0x77800  }
0xb0: {  	[dreg:$0x4] =	wrdreg $0x9  }
0xb1: {  	_ =	task.clear_ibuf [dreg:s6], $0x5FFFF;
	_ =	strace $0x90000046  }
0xb2: {  	s29 =	simm.s32 $0x9;
	_ =	strace $0x80000048  }
0xb3: {  	_ =	swait.ge [sflag:s29], $0x1  }
0xb4: {  	[sflag:s29] =	ssyncadd.s32 $0xFFFFFFFF  }
0xb5: {  	_ =	strace $0x90000048  }
0xb6: {  	_ =	sfence  }
0xb7: {  	s30 =	sld [smem:$0x0];
	_ =	sdelay $0x2  }
0xb8: {  	s31 =	sshll.u32 s1, $0xD;
	s1 =	sshrl.u32 s1, $0x2  }
0xb9: {  	s3 =	sand.u32 $0x4000, s31;
	s1 =	sadd.s32 s1, s30  }
0xba: {  	s0 =	sor.u32 s3, s0;
	s1 =	sshll.u32 s1, $0x11  }
0xbb: {  	s0 =	sor.u32 s1, s0  }
0xbc: {  	s0 =	sadd.s32 $0x8F2B, s0  }
0xbd: {  	[sflag:s0] =	ssyncadd.remote.s32 $0x1  }
0xbe: {  	_ =	sfence.sel $0xFFFF  }
0xbf: {  	[dreg:$0x0] =	wrdreg $0xFFFFFFFF;
	(pc) =	sbr.abs _section_cstart, $3  }
0xc0: {  	[dreg:$0x1] =	wrdreg $0xFFFFFFFF  }
0xc1: {  	_ =	task.clear_ibuf [dreg:s6], $0x2FFFF;
	_ =	strace $0x9FFFFFFF  }
0xc2: {  	(tm) =	ssettm $0x7FFFFFFF  }
0xc3: {  	_ =	shalt  }
tec
execute0_lowered:
.L_overlay_start_1:
0x0: {  	(tag) =	ssettag $0x1  }
0x1: {  	s6 =	rddreg [dreg:$0x0]  }
0x2: {  	s2 =	rddreg [dreg:$0x1]  }
0x3: {  	s0 =	rddreg [dreg:$0x2];
	s3 =	simm.s32 $0x0;
	s1 =	stileid.u32  }
0x4: {  	s8 =	srdreg.scid;
	s9 =	simm.s32 $0x2780;
	s10 =	simm.s32 $0x4F00  }
0x5: {  	v0 =	vlaneseq.u32;
	[smem:$0x7FF] =	sst s3;
	s7 =	smul.u32 $0x2780, s1;
	s11 =	sadd.s32 $0x2C00, s6  }
0x6: {  	s4 =	sadd.s32 $0xCA00, s6;
	s5 =	sadd.s32 $0xF200, s6;
	v15 =	vmul.u32 $0x8, v0;
	s14 =	smul.u32 $0x4F0, s1  }
0x7: {  	s6 =	sadd.s32 $0xF400, s6;
	s12 =	sand.u32 $0x1, s8;
	s8 =	smul.u32 $0x14000, s1  }
0x8: {  	s17 =	simm.s32 $0x80;
	s18 =	simm.s32 $0x1;
	_ =	strace $0x80000047;
	v0 =	vor.u32 $0x141C00, v15;
	v1 =	vor.u32 $0x141C80, v15  }
0x9: {  	s19 =	simm.s32 $0x0;
	s31 =	sshll.u32 s1, $0x6;
	s13 =	ssub.s32 $0x2, s12;
	v2 =	vor.u32 $0x141D00, v15;
	v3 =	vor.u32 $0x141D80, v15;
	v4 =	vor.u32 $0x141E00, v15  }
0xa: {  	s12 =	sshll.u32 s12, $0x8;
	s7 =	sshrl.u32 s7, $0x3;
	s15 =	sshrl.u32 s13, $0x1;
	v5 =	vor.u32 $0x141E80, v15;
	v6 =	vor.u32 $0x141F00, v15;
	v7 =	vor.u32 $0x141F80, v15  }
0xb: {  	s16 =	sadd.s32 s8, s2;
	v9 =	vor.u32 $0x140080, v15;
	v10 =	vor.u32 $0x140100, v15;
	v11 =	vor.u32 $0x140180, v15;
	s7 =	sadd.s32 s11, s7;
	s15 =	ssub.s32 s13, s15  }
0xc: {  	v12 =	vor.u32 $0x140200, v15;
	v13 =	vor.u32 $0x140280, v15;
	s11 =	sadd.s32 s11, s14;
	s13 =	sor.u32 $0x1C02, s31;
	s16 =	sshrl.u32 s16, $0x3  }
0xd: {  	v8 =	vor.u32 $0x140000, v15;
	v14 =	vor.u32 $0x140300, v15;
	v15 =	vor.u32 $0x140380, v15;
	s7 =	sadd.s32 $0x4F00, s7;
	s14 =	smax.u32 s15, $0x1;
	s15 =	simm.s32 $0x2  }
.LBB2_1:
0xe: {  	[tilespmem:s3], [sflag:$0x2] =	stream.linear.gather [hbm4b:s11+s3], $0x2780, $0x38;
	[tilespmem:$0x1B980] =	vst v63  }
0xf: {  	_ =	swait.ge [sflag:s15], $0x2780  }
0x10: {  	[sflag:s15] =	ssyncset.done $0x0  }
0x11: {  	[sflag:s15] =	ssyncadd.s32 $0xFFFFD880  }
0x12: {  	[tilespmem:s9], [sflag:$0x2] =	stream.linear.gather [hbm4b:s7+s3], $0x2780, $0x38;
	[tilespmem:$0x1B980] =	vst v63  }
0x13: {  	_ =	swait.ge [sflag:s15], $0x2780  }
0x14: {  	[sflag:s15] =	ssyncset.done $0x0  }
0x15: {  	[sflag:s15] =	ssyncadd.s32 $0xFFFFD880  }
0x16: {  	[tilespmem:s10], [sflag:$0x2] =	stream.linear.gather [hbm4b:s5+s3], $0x80, $0x38;
	[tilespmem:$0x1B980] =	vst v63  }
0x17: {  	_ =	swait.ge [sflag:s15], $0x80  }
0x18: {  	[sflag:s15] =	ssyncset.done $0x0  }
0x19: {  	[sflag:s15] =	ssyncadd.s32 $0xFFFFFF80  }
0x1a: {  	[tilespmem:$0x7700] =	vst v0  }
0x1b: {  	[tilespmem:$0x7710] =	vst v1  }
0x1c: {  	[tilespmem:$0x7720] =	vst v2  }
0x1d: {  	[tilespmem:$0x7730] =	vst v3  }
0x1e: {  	[tilespmem:$0x7740] =	vst v4  }
0x1f: {  	[tilespmem:$0x7750] =	vst v5  }
0x20: {  	[tilespmem:$0x7760] =	vst v6  }
0x21: {  	s20 =	simm.s32 $0x0;
	[tilespmem:$0x7770] =	vst v7  }
.LBB2_2:
0x22: {  	[spmem:s16], [sflag:s13] =	dma.local [hbm:s4], $0x2800  }
0x23: {  	_ =	swait.ge [sflag:s15], $0x2800  }
0x24: {  	p0 =	sgt.u32 s20, $0x9;
	p1 =	slt.u32 s20, $0xA;
	[sflag:s15] =	ssyncset.done $0x0  }
0x25: {  	s21 =	sshll.u32 s20, $0x9;
	s23 =	simm.s32 $0x27C0;
	[sflag:s15] =	ssyncadd.s32 $0xFFFFD800  }
0x26: {  	s22 =	sadd.s32 $0xFFFFEC00, s21;
	s23 =	simm.s32 @!p0 $0x40;
	[bflag:$0x0] =	sbarrier.arrive $0xFFFF  }
0x27: {  	s22 =	smov.u32 @p1 s21;
	v17 =	vld [tilespmem:s23+$0xFFFFFFC0]  }
0x28: {  	s21 =	sor.u32 s12, s22  }
0x29: {  	s21 =	smul.u32 $0x1400, s21;
	_ =	sdelay $0x1  }
0x2a: {  	s31 =	simm.s32 $0x0;
	v16 =	vmov s21  }
0x2b: {  	s24 =	sand.u32 $0x1C00, s31;
	v17 =	vsub.s32 v17, v16  }
0x2c: {  	v18 =	vor.u32 s24, v8;
	vm0 =	vlt.u32 v17, $0x140000  }
0x2d: {  	s22 =	simm.s32 $0x4FC0;
	v17 =	vsel vm0, v17, v18  }
0x2e: {  	[tilespmem:s22+$0xFFFFFFC0] =	vst v17  }
0x2f: {  	v17 =	vld [tilespmem:s23+$0xFFFFFFD0];
	_ =	sdelay $0x4  }
0x30: {  	v17 =	vsub.s32 v17, v16  }
0x31: {  	v18 =	vor.u32 s24, v9;
	vm9 =	vlt.u32 v17, $0x140000  }
0x32: {  	v17 =	vsel vm9, v17, v18  }
0x33: {  	[tilespmem:s22+$0xFFFFFFD0] =	vst v17  }
0x34: {  	v17 =	vld [tilespmem:s23+$0xFFFFFFE0];
	_ =	sdelay $0x4  }
0x35: {  	v17 =	vsub.s32 v17, v16  }
0x36: {  	v18 =	vor.u32 s24, v10;
	vm10 =	vlt.u32 v17, $0x140000  }
0x37: {  	v17 =	vsel vm10, v17, v18  }
0x38: {  	[tilespmem:s22+$0xFFFFFFE0] =	vst v17  }
0x39: {  	v17 =	vld [tilespmem:s23+$0xFFFFFFF0];
	_ =	sdelay $0x4  }
0x3a: {  	v17 =	vsub.s32 v17, v16  }
0x3b: {  	v18 =	vor.u32 s24, v11;
	vm11 =	vlt.u32 v17, $0x140000  }
0x3c: {  	v17 =	vsel vm11, v17, v18  }
0x3d: {  	[tilespmem:s22+$0xFFFFFFF0] =	vst v17  }
0x3e: {  	v17 =	vld [tilespmem:s23+$0x0];
	_ =	sdelay $0x4  }
0x3f: {  	v17 =	vsub.s32 v17, v16  }
0x40: {  	v18 =	vor.u32 s24, v12;
	vm12 =	vlt.u32 v17, $0x140000  }
0x41: {  	v17 =	vsel vm12, v17, v18  }
0x42: {  	[tilespmem:s22+$0x0] =	vst v17  }
0x43: {  	v17 =	vld [tilespmem:s23+$0x10];
	_ =	sdelay $0x4  }
0x44: {  	v17 =	vsub.s32 v17, v16  }
0x45: {  	v18 =	vor.u32 s24, v13;
	vm13 =	vlt.u32 v17, $0x140000  }
0x46: {  	v17 =	vsel vm13, v17, v18  }
0x47: {  	[tilespmem:s22+$0x10] =	vst v17  }
0x48: {  	v17 =	vld [tilespmem:s23+$0x20];
	_ =	sdelay $0x4  }
0x49: {  	v17 =	vsub.s32 v17, v16  }
0x4a: {  	v18 =	vor.u32 s24, v14;
	vm14 =	vlt.u32 v17, $0x140000  }
0x4b: {  	v17 =	vsel vm14, v17, v18  }
0x4c: {  	[tilespmem:s22+$0x20] =	vst v17  }
0x4d: {  	v17 =	vld [tilespmem:s23+$0x30];
	_ =	sdelay $0x4  }
0x4e: {  	v17 =	vsub.s32 v17, v16  }
0x4f: {  	v18 =	vor.u32 s24, v15;
	vm15 =	vlt.u32 v17, $0x140000  }
0x50: {  	v17 =	vsel vm15, v17, v18  }
0x51: {  	s23 =	sadd.s32 $0x80, s23;
	[tilespmem:s22+$0x30] =	vst v17  }
0x52: {  	s25 =	simm.s32 $0x800;
	s24 =	simm.s32 $0x400;
	v17 =	vld [tilespmem:s23+$0xFFFFFFC0]  }
.LBB2_3:
0x53: {  	p1 =	sne.s32 s25, $0x13800;
	_ =	sdelay $0x3  }
0x54: {  	s26 =	sand.u32 $0x1C00, s24;
	s24 =	smov.u32 s25;
	v17 =	vsub.s32 v17, v16  }
0x55: {  	v18 =	vor.u32 s26, v8;
	vm0 =	vlt.u32 v17, $0x140000  }
0x56: {  	s22 =	sadd.s32 $0x80, s22;
	v17 =	vsel vm0, v17, v18  }
0x57: {  	[tilespmem:s22+$0xFFFFFFC0] =	vst v17  }
0x58: {  	v17 =	vld [tilespmem:s23+$0xFFFFFFD0];
	_ =	sdelay $0x4  }
0x59: {  	v17 =	vsub.s32 v17, v16  }
0x5a: {  	v18 =	vor.u32 s26, v9;
	vm0 =	vlt.u32 v17, $0x140000  }
0x5b: {  	v17 =	vsel vm0, v17, v18  }
0x5c: {  	[tilespmem:s22+$0xFFFFFFD0] =	vst v17  }
0x5d: {  	v17 =	vld [tilespmem:s23+$0xFFFFFFE0];
	_ =	sdelay $0x4  }
0x5e: {  	v17 =	vsub.s32 v17, v16  }
0x5f: {  	v18 =	vor.u32 s26, v10;
	vm0 =	vlt.u32 v17, $0x140000  }
0x60: {  	v17 =	vsel vm0, v17, v18  }
0x61: {  	[tilespmem:s22+$0xFFFFFFE0] =	vst v17  }
0x62: {  	v17 =	vld [tilespmem:s23+$0xFFFFFFF0];
	_ =	sdelay $0x4  }
0x63: {  	v17 =	vsub.s32 v17, v16  }
0x64: {  	v18 =	vor.u32 s26, v11;
	vm0 =	vlt.u32 v17, $0x140000  }
0x65: {  	v17 =	vsel vm0, v17, v18  }
0x66: {  	[tilespmem:s22+$0xFFFFFFF0] =	vst v17  }
0x67: {  	v17 =	vld [tilespmem:s23+$0x0];
	_ =	sdelay $0x4  }
0x68: {  	v17 =	vsub.s32 v17, v16  }
0x69: {  	v18 =	vor.u32 s26, v12;
	vm0 =	vlt.u32 v17, $0x140000  }
0x6a: {  	v17 =	vsel vm0, v17, v18  }
0x6b: {  	[tilespmem:s22+$0x0] =	vst v17  }
0x6c: {  	v17 =	vld [tilespmem:s23+$0x10];
	_ =	sdelay $0x4  }
0x6d: {  	v17 =	vsub.s32 v17, v16  }
0x6e: {  	v18 =	vor.u32 s26, v13;
	vm0 =	vlt.u32 v17, $0x140000  }
0x6f: {  	v17 =	vsel vm0, v17, v18  }
0x70: {  	[tilespmem:s22+$0x10] =	vst v17  }
0x71: {  	v17 =	vld [tilespmem:s23+$0x20];
	_ =	sdelay $0x4  }
0x72: {  	v17 =	vsub.s32 v17, v16  }
0x73: {  	v18 =	vor.u32 s26, v14;
	vm0 =	vlt.u32 v17, $0x140000  }
0x74: {  	v17 =	vsel vm0, v17, v18  }
0x75: {  	[tilespmem:s22+$0x20] =	vst v17  }
0x76: {  	v17 =	vld [tilespmem:s23+$0x30];
	_ =	sdelay $0x4  }
.Ltmp0:
0x77: {  	v17 =	vsub.s32 v17, v16;
	(pc) =	sbr.rel @p1 .LBB2_3-.Ltmp0, $4  }
0x78: {  	v18 =	vor.u32 s26, v15;
	vm0 =	vlt.u32 v17, $0x140000  }
0x79: {  	v17 =	vsel vm0, v17, v18  }
0x7a: {  	s23 =	sadd.s32 $0x80, s23;
	[tilespmem:s22+$0x30] =	vst v17  }
0x7b: {  	s25 =	sadd.s32 $0x400, s25;
	v17 =	vld [tilespmem:s23+$0xFFFFFFC0]  }
0x7c: {  	_ =	sdelay $0x3  }
0x7d: {  	s24 =	sand.u32 $0x1C00, s24;
	v17 =	vsub.s32 v17, v16  }
0x7e: {  	v18 =	vor.u32 s24, v8;
	vm0 =	vlt.u32 v17, $0x140000  }
0x7f: {  	s22 =	sadd.s32 $0x80, s22;
	v17 =	vsel vm0, v17, v18  }
0x80: {  	[tilespmem:s22+$0xFFFFFFC0] =	vst v17  }
0x81: {  	v17 =	vld [tilespmem:s23+$0xFFFFFFD0];
	_ =	sdelay $0x4  }
0x82: {  	v17 =	vsub.s32 v17, v16  }
0x83: {  	v58 =	vor.u32 s24, v9;
	vm9 =	vlt.u32 v17, $0x140000  }
0x84: {  	v17 =	vsel vm9, v17, v58  }
0x85: {  	[tilespmem:s22+$0xFFFFFFD0] =	vst v17  }
0x86: {  	v17 =	vld [tilespmem:s23+$0xFFFFFFE0];
	_ =	sdelay $0x4  }
0x87: {  	v17 =	vsub.s32 v17, v16  }
0x88: {  	v59 =	vor.u32 s24, v10;
	vm10 =	vlt.u32 v17, $0x140000  }
0x89: {  	v17 =	vsel vm10, v17, v59  }
0x8a: {  	[tilespmem:s22+$0xFFFFFFE0] =	vst v17  }
0x8b: {  	v17 =	vld [tilespmem:s23+$0xFFFFFFF0];
	_ =	sdelay $0x4  }
0x8c: {  	v17 =	vsub.s32 v17, v16  }
0x8d: {  	v60 =	vor.u32 s24, v11;
	vm11 =	vlt.u32 v17, $0x140000  }
0x8e: {  	v17 =	vsel vm11, v17, v60  }
0x8f: {  	[tilespmem:s22+$0xFFFFFFF0] =	vst v17  }
0x90: {  	v17 =	vld [tilespmem:s23+$0x0];
	_ =	sdelay $0x4  }
0x91: {  	v17 =	vsub.s32 v17, v16  }
0x92: {  	v61 =	vor.u32 s24, v12;
	vm12 =	vlt.u32 v17, $0x140000  }
0x93: {  	v17 =	vsel vm12, v17, v61  }
0x94: {  	[tilespmem:s22+$0x0] =	vst v17  }
0x95: {  	v17 =	vld [tilespmem:s23+$0x10];
	_ =	sdelay $0x4  }
0x96: {  	v17 =	vsub.s32 v17, v16  }
0x97: {  	v62 =	vor.u32 s24, v13;
	vm13 =	vlt.u32 v17, $0x140000  }
0x98: {  	v17 =	vsel vm13, v17, v62  }
0x99: {  	[tilespmem:s22+$0x10] =	vst v17  }
0x9a: {  	v17 =	vld [tilespmem:s23+$0x20];
	_ =	sdelay $0x4  }
0x9b: {  	v17 =	vsub.s32 v17, v16  }
0x9c: {  	v63 =	vor.u32 s24, v14;
	vm14 =	vlt.u32 v17, $0x140000  }
0x9d: {  	v17 =	vsel vm14, v17, v63  }
0x9e: {  	[tilespmem:s22+$0x20] =	vst v17  }
0x9f: {  	v17 =	vld [tilespmem:s23+$0x30];
	_ =	sdelay $0x4  }
0xa0: {  	v16 =	vsub.s32 v17, v16  }
0xa1: {  	v17 =	vor.u32 s24, v15;
	vm15 =	vlt.u32 v16, $0x140000  }
0xa2: {  	v16 =	vsel vm15, v16, v17  }
0xa3: {  	s23 =	simm.s32 $0x4F80;
	[tilespmem:s22+$0x30] =	vst v16  }
0xa4: {  	[spmem:s2] =	stream.indirect.scatter.add.f32 [tilespmem:s10], [sflag:$0x1], $0x1, s23, s17, $0xb8;
	[tilespmem:$0x1B980] =	vst v63  }
0xa5: {  	s24 =	simm.s32 $0x5000  }
0xa6: {  	[spmem:s2] =	stream.indirect.scatter.add.f32 [tilespmem:s10], [sflag:$0x1], $0x1, s24, s17, $0xb8;
	[tilespmem:$0x1B980] =	vst v63  }
0xa7: {  	s25 =	simm.s32 $0x5080  }
0xa8: {  	[spmem:s2] =	stream.indirect.scatter.add.f32 [tilespmem:s10], [sflag:$0x1], $0x1, s25, s17, $0xb8;
	[tilespmem:$0x1B980] =	vst v63  }
0xa9: {  	s26 =	simm.s32 $0x5100  }
0xaa: {  	[spmem:s2] =	stream.indirect.scatter.add.f32 [tilespmem:s10], [sflag:$0x1], $0x1, s26, s17, $0xb8;
	[tilespmem:$0x1B980] =	vst v63  }
0xab: {  	s28 =	simm.s32 $0x5180  }
0xac: {  	[spmem:s2] =	stream.indirect.scatter.add.f32 [tilespmem:s10], [sflag:$0x1], $0x1, s28, s17, $0xb8;
	[tilespmem:$0x1B980] =	vst v63  }
0xad: {  	s29 =	simm.s32 $0x5200  }
0xae: {  	[spmem:s2] =	stream.indirect.scatter.add.f32 [tilespmem:s10], [sflag:$0x1], $0x1, s29, s17, $0xb8;
	[tilespmem:$0x1B980] =	vst v63  }
0xaf: {  	s30 =	simm.s32 $0x5280  }
0xb0: {  	[spmem:s2] =	stream.indirect.scatter.add.f32 [tilespmem:s10], [sflag:$0x1], $0x1, s30, s17, $0xb8;
	[tilespmem:$0x1B980] =	vst v63  }
0xb1: {  	s31 =	simm.s32 $0x5300  }
0xb2: {  	[spmem:s2] =	stream.indirect.scatter.add.f32 [tilespmem:s10], [sflag:$0x1], $0x1, s31, s17, $0xb8;
	[tilespmem:$0x1B980] =	vst v63  }
0xb3: {  	s23 =	simm.s32 $0x5380  }
0xb4: {  	[spmem:s2] =	stream.indirect.scatter.add.f32 [tilespmem:s10], [sflag:$0x1], $0x1, s23, s17, $0xb8;
	[tilespmem:$0x1B980] =	vst v63  }
0xb5: {  	s24 =	simm.s32 $0x5400  }
0xb6: {  	[spmem:s2] =	stream.indirect.scatter.add.f32 [tilespmem:s10], [sflag:$0x1], $0x1, s24, s17, $0xb8;
	[tilespmem:$0x1B980] =	vst v63  }
0xb7: {  	s25 =	simm.s32 $0x5480  }
0xb8: {  	[spmem:s2] =	stream.indirect.scatter.add.f32 [tilespmem:s10], [sflag:$0x1], $0x1, s25, s17, $0xb8;
	[tilespmem:$0x1B980] =	vst v63  }
0xb9: {  	s26 =	simm.s32 $0x5500  }
0xba: {  	[spmem:s2] =	stream.indirect.scatter.add.f32 [tilespmem:s10], [sflag:$0x1], $0x1, s26, s17, $0xb8;
	[tilespmem:$0x1B980] =	vst v63  }
0xbb: {  	s28 =	simm.s32 $0x5580  }
0xbc: {  	[spmem:s2] =	stream.indirect.scatter.add.f32 [tilespmem:s10], [sflag:$0x1], $0x1, s28, s17, $0xb8;
	[tilespmem:$0x1B980] =	vst v63  }
0xbd: {  	s29 =	simm.s32 $0x5600  }
0xbe: {  	[spmem:s2] =	stream.indirect.scatter.add.f32 [tilespmem:s10], [sflag:$0x1], $0x1, s29, s17, $0xb8;
	[tilespmem:$0x1B980] =	vst v63  }
0xbf: {  	s30 =	simm.s32 $0x5680  }
0xc0: {  	[spmem:s2] =	stream.indirect.scatter.add.f32 [tilespmem:s10], [sflag:$0x1], $0x1, s30, s17, $0xb8;
	[tilespmem:$0x1B980] =	vst v63  }
0xc1: {  	s31 =	simm.s32 $0x5700  }
0xc2: {  	[spmem:s2] =	stream.indirect.scatter.add.f32 [tilespmem:s10], [sflag:$0x1], $0x1, s31, s17, $0xb8;
	[tilespmem:$0x1B980] =	vst v63  }
0xc3: {  	_ =	swait.ge [sflag:s18], $0x80  }
0xc4: {  	[sflag:s18] =	ssyncset.done $0x0  }
0xc5: {  	[sflag:s18] =	ssyncadd.s32 $0xFFFFFF80  }
0xc6: {  	_ =	swait.ge [sflag:s18], $0x80  }
0xc7: {  	[sflag:s18] =	ssyncset.done $0x0  }
0xc8: {  	[sflag:s18] =	ssyncadd.s32 $0xFFFFFF80  }
0xc9: {  	_ =	swait.ge [sflag:s18], $0x80  }
0xca: {  	[sflag:s18] =	ssyncset.done $0x0  }
0xcb: {  	[sflag:s18] =	ssyncadd.s32 $0xFFFFFF80  }
0xcc: {  	_ =	swait.ge [sflag:s18], $0x80  }
0xcd: {  	[sflag:s18] =	ssyncset.done $0x0  }
0xce: {  	[sflag:s18] =	ssyncadd.s32 $0xFFFFFF80  }
0xcf: {  	_ =	swait.ge [sflag:s18], $0x80  }
0xd0: {  	[sflag:s18] =	ssyncset.done $0x0  }
0xd1: {  	[sflag:s18] =	ssyncadd.s32 $0xFFFFFF80  }
0xd2: {  	_ =	swait.ge [sflag:s18], $0x80  }
0xd3: {  	[sflag:s18] =	ssyncset.done $0x0  }
0xd4: {  	[sflag:s18] =	ssyncadd.s32 $0xFFFFFF80  }
0xd5: {  	_ =	swait.ge [sflag:s18], $0x80  }
0xd6: {  	[sflag:s18] =	ssyncset.done $0x0  }
0xd7: {  	[sflag:s18] =	ssyncadd.s32 $0xFFFFFF80  }
0xd8: {  	_ =	swait.ge [sflag:s18], $0x80  }
0xd9: {  	[sflag:s18] =	ssyncset.done $0x0  }
0xda: {  	[sflag:s18] =	ssyncadd.s32 $0xFFFFFF80  }
0xdb: {  	_ =	swait.ge [sflag:s18], $0x80  }
0xdc: {  	[sflag:s18] =	ssyncset.done $0x0  }
0xdd: {  	[sflag:s18] =	ssyncadd.s32 $0xFFFFFF80  }
0xde: {  	_ =	swait.ge [sflag:s18], $0x80  }
0xdf: {  	[sflag:s18] =	ssyncset.done $0x0  }
0xe0: {  	[sflag:s18] =	ssyncadd.s32 $0xFFFFFF80  }
0xe1: {  	_ =	swait.ge [sflag:s18], $0x80  }
0xe2: {  	[sflag:s18] =	ssyncset.done $0x0  }
0xe3: {  	[sflag:s18] =	ssyncadd.s32 $0xFFFFFF80  }
0xe4: {  	_ =	swait.ge [sflag:s18], $0x80  }
0xe5: {  	[sflag:s18] =	ssyncset.done $0x0  }
0xe6: {  	[sflag:s18] =	ssyncadd.s32 $0xFFFFFF80  }
0xe7: {  	_ =	swait.ge [sflag:s18], $0x80  }
0xe8: {  	[sflag:s18] =	ssyncset.done $0x0  }
0xe9: {  	[sflag:s18] =	ssyncadd.s32 $0xFFFFFF80  }
0xea: {  	_ =	swait.ge [sflag:s18], $0x80  }
0xeb: {  	[sflag:s18] =	ssyncset.done $0x0  }
0xec: {  	[sflag:s18] =	ssyncadd.s32 $0xFFFFFF80  }
0xed: {  	_ =	swait.ge [sflag:s18], $0x80  }
0xee: {  	[sflag:s18] =	ssyncset.done $0x0  }
0xef: {  	[sflag:s18] =	ssyncadd.s32 $0xFFFFFF80  }
0xf0: {  	_ =	swait.ge [sflag:s18], $0x80  }
0xf1: {  	s24 =	simm.s32 $0x800;
	s25 =	simm.s32 $0x4000;
	[sflag:s18] =	ssyncset.done $0x0  }
.LBB2_5:
0xf2: {  	s26 =	sadd.s32 $0x4F80, s24  }
0xf3: {  	[sflag:s18] =	ssyncadd.s32 $0xFFFFFF80;
	s23 =	smov.u32 s25;
	s22 =	sadd.s32 $0x2000, s25  }
0xf4: {  	[spmem:s2] =	stream.indirect.scatter.add.f32 [tilespmem:s10], [sflag:$0x1], $0x1, s26, s17, $0xb8;
	[tilespmem:$0x1B980] =	vst v63  }
0xf5: {  	p1 =	sne.s32 s25, $0x8000;
	s25 =	sadd.s32 $0x5000, s24  }
0xf6: {  	[spmem:s2] =	stream.indirect.scatter.add.f32 [tilespmem:s10], [sflag:$0x1], $0x1, s25, s17, $0xb8;
	[tilespmem:$0x1B980] =	vst v63  }
0xf7: {  	s25 =	sadd.s32 $0x5080, s24  }
0xf8: {  	[spmem:s2] =	stream.indirect.scatter.add.f32 [tilespmem:s10], [sflag:$0x1], $0x1, s25, s17, $0xb8;
	[tilespmem:$0x1B980] =	vst v63  }
0xf9: {  	s25 =	sadd.s32 $0x5100, s24  }
0xfa: {  	[spmem:s2] =	stream.indirect.scatter.add.f32 [tilespmem:s10], [sflag:$0x1], $0x1, s25, s17, $0xb8;
	[tilespmem:$0x1B980] =	vst v63  }
0xfb: {  	s25 =	sadd.s32 $0x5180, s24  }
0xfc: {  	[spmem:s2] =	stream.indirect.scatter.add.f32 [tilespmem:s10], [sflag:$0x1], $0x1, s25, s17, $0xb8;
	[tilespmem:$0x1B980] =	vst v63  }
0xfd: {  	s25 =	sadd.s32 $0x5200, s24  }
0xfe: {  	[spmem:s2] =	stream.indirect.scatter.add.f32 [tilespmem:s10], [sflag:$0x1], $0x1, s25, s17, $0xb8;
	[tilespmem:$0x1B980] =	vst v63  }
0xff: {  	s25 =	sadd.s32 $0x5280, s24  }
0x100: {  	[spmem:s2] =	stream.indirect.scatter.add.f32 [tilespmem:s10], [sflag:$0x1], $0x1, s25, s17, $0xb8;
	[tilespmem:$0x1B980] =	vst v63  }
0x101: {  	s25 =	sadd.s32 $0x5300, s24  }
0x102: {  	[spmem:s2] =	stream.indirect.scatter.add.f32 [tilespmem:s10], [sflag:$0x1], $0x1, s25, s17, $0xb8;
	[tilespmem:$0x1B980] =	vst v63  }
0x103: {  	s25 =	sadd.s32 $0x5380, s24  }
0x104: {  	[spmem:s2] =	stream.indirect.scatter.add.f32 [tilespmem:s10], [sflag:$0x1], $0x1, s25, s17, $0xb8;
	[tilespmem:$0x1B980] =	vst v63  }
0x105: {  	s25 =	sadd.s32 $0x5400, s24  }
0x106: {  	[spmem:s2] =	stream.indirect.scatter.add.f32 [tilespmem:s10], [sflag:$0x1], $0x1, s25, s17, $0xb8;
	[tilespmem:$0x1B980] =	vst v63  }
0x107: {  	s25 =	sadd.s32 $0x5480, s24  }
0x108: {  	[spmem:s2] =	stream.indirect.scatter.add.f32 [tilespmem:s10], [sflag:$0x1], $0x1, s25, s17, $0xb8;
	[tilespmem:$0x1B980] =	vst v63  }
0x109: {  	s25 =	sadd.s32 $0x5500, s24  }
0x10a: {  	[spmem:s2] =	stream.indirect.scatter.add.f32 [tilespmem:s10], [sflag:$0x1], $0x1, s25, s17, $0xb8;
	[tilespmem:$0x1B980] =	vst v63  }
0x10b: {  	s25 =	sadd.s32 $0x5580, s24  }
0x10c: {  	[spmem:s2] =	stream.indirect.scatter.add.f32 [tilespmem:s10], [sflag:$0x1], $0x1, s25, s17, $0xb8;
	[tilespmem:$0x1B980] =	vst v63  }
0x10d: {  	s25 =	sadd.s32 $0x5600, s24  }
0x10e: {  	[spmem:s2] =	stream.indirect.scatter.add.f32 [tilespmem:s10], [sflag:$0x1], $0x1, s25, s17, $0xb8;
	[tilespmem:$0x1B980] =	vst v63  }
0x10f: {  	s25 =	sadd.s32 $0x5680, s24  }
0x110: {  	[spmem:s2] =	stream.indirect.scatter.add.f32 [tilespmem:s10], [sflag:$0x1], $0x1, s25, s17, $0xb8;
	[tilespmem:$0x1B980] =	vst v63  }
0x111: {  	s24 =	sadd.s32 $0x5700, s24  }
0x112: {  	[spmem:s2] =	stream.indirect.scatter.add.f32 [tilespmem:s10], [sflag:$0x1], $0x1, s24, s17, $0xb8;
	[tilespmem:$0x1B980] =	vst v63  }
0x113: {  	_ =	swait.ge [sflag:s18], $0x80  }
0x114: {  	[sflag:s18] =	ssyncset.done $0x0  }
0x115: {  	[sflag:s18] =	ssyncadd.s32 $0xFFFFFF80  }
0x116: {  	_ =	swait.ge [sflag:s18], $0x80  }
0x117: {  	[sflag:s18] =	ssyncset.done $0x0  }
0x118: {  	[sflag:s18] =	ssyncadd.s32 $0xFFFFFF80  }
0x119: {  	_ =	swait.ge [sflag:s18], $0x80  }
0x11a: {  	[sflag:s18] =	ssyncset.done $0x0  }
0x11b: {  	[sflag:s18] =	ssyncadd.s32 $0xFFFFFF80  }
0x11c: {  	_ =	swait.ge [sflag:s18], $0x80  }
0x11d: {  	[sflag:s18] =	ssyncset.done $0x0  }
0x11e: {  	[sflag:s18] =	ssyncadd.s32 $0xFFFFFF80  }
0x11f: {  	_ =	swait.ge [sflag:s18], $0x80  }
0x120: {  	[sflag:s18] =	ssyncset.done $0x0  }
0x121: {  	[sflag:s18] =	ssyncadd.s32 $0xFFFFFF80  }
0x122: {  	_ =	swait.ge [sflag:s18], $0x80  }
0x123: {  	[sflag:s18] =	ssyncset.done $0x0  }
0x124: {  	[sflag:s18] =	ssyncadd.s32 $0xFFFFFF80  }
0x125: {  	_ =	swait.ge [sflag:s18], $0x80  }
0x126: {  	[sflag:s18] =	ssyncset.done $0x0  }
0x127: {  	[sflag:s18] =	ssyncadd.s32 $0xFFFFFF80  }
0x128: {  	_ =	swait.ge [sflag:s18], $0x80  }
0x129: {  	[sflag:s18] =	ssyncset.done $0x0  }
0x12a: {  	[sflag:s18] =	ssyncadd.s32 $0xFFFFFF80  }
0x12b: {  	_ =	swait.ge [sflag:s18], $0x80  }
0x12c: {  	[sflag:s18] =	ssyncset.done $0x0  }
0x12d: {  	[sflag:s18] =	ssyncadd.s32 $0xFFFFFF80  }
0x12e: {  	_ =	swait.ge [sflag:s18], $0x80  }
0x12f: {  	[sflag:s18] =	ssyncset.done $0x0  }
0x130: {  	[sflag:s18] =	ssyncadd.s32 $0xFFFFFF80  }
0x131: {  	_ =	swait.ge [sflag:s18], $0x80  }
0x132: {  	[sflag:s18] =	ssyncset.done $0x0  }
0x133: {  	[sflag:s18] =	ssyncadd.s32 $0xFFFFFF80  }
0x134: {  	_ =	swait.ge [sflag:s18], $0x80  }
0x135: {  	[sflag:s18] =	ssyncset.done $0x0  }
0x136: {  	[sflag:s18] =	ssyncadd.s32 $0xFFFFFF80  }
0x137: {  	_ =	swait.ge [sflag:s18], $0x80  }
0x138: {  	[sflag:s18] =	ssyncset.done $0x0  }
0x139: {  	[sflag:s18] =	ssyncadd.s32 $0xFFFFFF80  }
0x13a: {  	_ =	swait.ge [sflag:s18], $0x80  }
0x13b: {  	[sflag:s18] =	ssyncset.done $0x0  }
0x13c: {  	[sflag:s18] =	ssyncadd.s32 $0xFFFFFF80  }
.Ltmp1:
0x13d: {  	_ =	swait.ge [sflag:s18], $0x80;
	(pc) =	sbr.rel @p1 .LBB2_5-.Ltmp1, $4  }
0x13e: {  	[sflag:s18] =	ssyncset.done $0x0  }
0x13f: {  	[sflag:s18] =	ssyncadd.s32 $0xFFFFFF80  }
0x140: {  	_ =	swait.ge [sflag:s18], $0x80  }
0x141: {  	s25 =	smov.u32 s22;
	s24 =	sshra.s32 s23, $0x2;
	[sflag:s18] =	ssyncset.done $0x0  }
0x142: {  	s22 =	sadd.s32 $0x4F80, s24;
	[sflag:s18] =	ssyncadd.s32 $0xFFFFFF80  }
0x143: {  	[spmem:s2] =	stream.indirect.scatter.add.f32 [tilespmem:s10], [sflag:$0x1], $0x1, s22, s17, $0xb8;
	[tilespmem:$0x1B980] =	vst v63  }
0x144: {  	s31 =	sadd.s32 $0x5000, s24  }
0x145: {  	[spmem:s2] =	stream.indirect.scatter.add.f32 [tilespmem:s10], [sflag:$0x1], $0x1, s31, s17, $0xb8;
	[tilespmem:$0x1B980] =	vst v63  }
0x146: {  	s23 =	sadd.s32 $0x5080, s24  }
0x147: {  	[spmem:s2] =	stream.indirect.scatter.add.f32 [tilespmem:s10], [sflag:$0x1], $0x1, s23, s17, $0xb8;
	[tilespmem:$0x1B980] =	vst v63  }
0x148: {  	s25 =	sadd.s32 $0x5100, s24  }
0x149: {  	[spmem:s2] =	stream.indirect.scatter.add.f32 [tilespmem:s10], [sflag:$0x1], $0x1, s25, s17, $0xb8;
	[tilespmem:$0x1B980] =	vst v63  }
0x14a: {  	s26 =	sadd.s32 $0x5180, s24  }
0x14b: {  	[spmem:s2] =	stream.indirect.scatter.add.f32 [tilespmem:s10], [sflag:$0x1], $0x1, s26, s17, $0xb8;
	[tilespmem:$0x1B980] =	vst v63  }
0x14c: {  	s28 =	sadd.s32 $0x5200, s24  }
0x14d: {  	[spmem:s2] =	stream.indirect.scatter.add.f32 [tilespmem:s10], [sflag:$0x1], $0x1, s28, s17, $0xb8;
	[tilespmem:$0x1B980] =	vst v63  }
0x14e: {  	s29 =	sadd.s32 $0x5280, s24  }
0x14f: {  	[spmem:s2] =	stream.indirect.scatter.add.f32 [tilespmem:s10], [sflag:$0x1], $0x1, s29, s17, $0xb8;
	[tilespmem:$0x1B980] =	vst v63  }
0x150: {  	s30 =	sadd.s32 $0x5300, s24  }
0x151: {  	[spmem:s2] =	stream.indirect.scatter.add.f32 [tilespmem:s10], [sflag:$0x1], $0x1, s30, s17, $0xb8;
	[tilespmem:$0x1B980] =	vst v63  }
0x152: {  	s31 =	sadd.s32 $0x5380, s24  }
0x153: {  	[spmem:s2] =	stream.indirect.scatter.add.f32 [tilespmem:s10], [sflag:$0x1], $0x1, s31, s17, $0xb8;
	[tilespmem:$0x1B980] =	vst v63  }
0x154: {  	s23 =	sadd.s32 $0x5400, s24  }
0x155: {  	[spmem:s2] =	stream.indirect.scatter.add.f32 [tilespmem:s10], [sflag:$0x1], $0x1, s23, s17, $0xb8;
	[tilespmem:$0x1B980] =	vst v63  }
0x156: {  	s25 =	sadd.s32 $0x5480, s24  }
0x157: {  	[spmem:s2] =	stream.indirect.scatter.add.f32 [tilespmem:s10], [sflag:$0x1], $0x1, s25, s17, $0xb8;
	[tilespmem:$0x1B980] =	vst v63  }
0x158: {  	s26 =	sadd.s32 $0x5500, s24  }
0x159: {  	[spmem:s2] =	stream.indirect.scatter.add.f32 [tilespmem:s10], [sflag:$0x1], $0x1, s26, s17, $0xb8;
	[tilespmem:$0x1B980] =	vst v63  }
0x15a: {  	s28 =	sadd.s32 $0x5580, s24  }
0x15b: {  	[spmem:s2] =	stream.indirect.scatter.add.f32 [tilespmem:s10], [sflag:$0x1], $0x1, s28, s17, $0xb8;
	[tilespmem:$0x1B980] =	vst v63  }
0x15c: {  	s29 =	sadd.s32 $0x5600, s24  }
0x15d: {  	[spmem:s2] =	stream.indirect.scatter.add.f32 [tilespmem:s10], [sflag:$0x1], $0x1, s29, s17, $0xb8;
	[tilespmem:$0x1B980] =	vst v63  }
0x15e: {  	s30 =	sadd.s32 $0x5680, s24  }
0x15f: {  	[spmem:s2] =	stream.indirect.scatter.add.f32 [tilespmem:s10], [sflag:$0x1], $0x1, s30, s17, $0xb8;
	[tilespmem:$0x1B980] =	vst v63  }
0x160: {  	s31 =	sadd.s32 $0x5700, s24  }
0x161: {  	[spmem:s2] =	stream.indirect.scatter.add.f32 [tilespmem:s10], [sflag:$0x1], $0x1, s31, s17, $0xb8;
	[tilespmem:$0x1B980] =	vst v63  }
0x162: {  	_ =	swait.ge [sflag:s18], $0x80  }
0x163: {  	[sflag:s18] =	ssyncset.done $0x0  }
0x164: {  	[sflag:s18] =	ssyncadd.s32 $0xFFFFFF80  }
0x165: {  	_ =	swait.ge [sflag:s18], $0x80  }
0x166: {  	[sflag:s18] =	ssyncset.done $0x0  }
0x167: {  	[sflag:s18] =	ssyncadd.s32 $0xFFFFFF80  }
0x168: {  	_ =	swait.ge [sflag:s18], $0x80  }
0x169: {  	[sflag:s18] =	ssyncset.done $0x0  }
0x16a: {  	[sflag:s18] =	ssyncadd.s32 $0xFFFFFF80  }
0x16b: {  	_ =	swait.ge [sflag:s18], $0x80  }
0x16c: {  	[sflag:s18] =	ssyncset.done $0x0  }
0x16d: {  	[sflag:s18] =	ssyncadd.s32 $0xFFFFFF80  }
0x16e: {  	_ =	swait.ge [sflag:s18], $0x80  }
0x16f: {  	[sflag:s18] =	ssyncset.done $0x0  }
0x170: {  	[sflag:s18] =	ssyncadd.s32 $0xFFFFFF80  }
0x171: {  	_ =	swait.ge [sflag:s18], $0x80  }
0x172: {  	[sflag:s18] =	ssyncset.done $0x0  }
0x173: {  	[sflag:s18] =	ssyncadd.s32 $0xFFFFFF80  }
0x174: {  	_ =	swait.ge [sflag:s18], $0x80  }
0x175: {  	[sflag:s18] =	ssyncset.done $0x0  }
0x176: {  	[sflag:s18] =	ssyncadd.s32 $0xFFFFFF80  }
0x177: {  	_ =	swait.ge [sflag:s18], $0x80  }
0x178: {  	[sflag:s18] =	ssyncset.done $0x0  }
0x179: {  	[sflag:s18] =	ssyncadd.s32 $0xFFFFFF80  }
0x17a: {  	_ =	swait.ge [sflag:s18], $0x80  }
0x17b: {  	[sflag:s18] =	ssyncset.done $0x0  }
0x17c: {  	[sflag:s18] =	ssyncadd.s32 $0xFFFFFF80  }
0x17d: {  	_ =	swait.ge [sflag:s18], $0x80  }
0x17e: {  	[sflag:s18] =	ssyncset.done $0x0  }
0x17f: {  	[sflag:s18] =	ssyncadd.s32 $0xFFFFFF80  }
0x180: {  	_ =	swait.ge [sflag:s18], $0x80  }
0x181: {  	[sflag:s18] =	ssyncset.done $0x0  }
0x182: {  	[sflag:s18] =	ssyncadd.s32 $0xFFFFFF80  }
0x183: {  	_ =	swait.ge [sflag:s18], $0x80  }
0x184: {  	[sflag:s18] =	ssyncset.done $0x0  }
0x185: {  	[sflag:s18] =	ssyncadd.s32 $0xFFFFFF80  }
0x186: {  	_ =	swait.ge [sflag:s18], $0x80  }
0x187: {  	[sflag:s18] =	ssyncset.done $0x0  }
0x188: {  	[sflag:s18] =	ssyncadd.s32 $0xFFFFFF80  }
0x189: {  	_ =	swait.ge [sflag:s18], $0x80  }
0x18a: {  	[sflag:s18] =	ssyncset.done $0x0  }
0x18b: {  	[sflag:s18] =	ssyncadd.s32 $0xFFFFFF80  }
0x18c: {  	_ =	swait.ge [sflag:s18], $0x80  }
0x18d: {  	s22 =	simm.s32 $0x1900000;
	[sflag:s18] =	ssyncset.done $0x0  }
0x18e: {  	s22 =	simm.s32 @!p0 $0x0;
	[sflag:s18] =	ssyncadd.s32 $0xFFFFFF80  }
0x18f: {  	s22 =	sadd.s32 s8, s22;
	_ =	swait.ge [sflag:s18], $0x80  }
0x190: {  	s20 =	sadd.s32 $0x1, s20;
	s21 =	sadd.s32 s21, s22;
	[sflag:s18] =	ssyncset.done $0x0  }
0x191: {  	p0 =	sne.s32 s20, $0x14;
	s21 =	sshrl.u32 s21, $0x3;
	[sflag:s18] =	ssyncadd.s32 $0xFFFFFF80  }
.Ltmp2:
0x192: {  	s21 =	sadd.s32 s6, s21;
	[bflag:$0x0] =	sbarrier.arrive $0xFFFF;
	(pc) =	sbr.rel @p0 .LBB2_2-.Ltmp2, $4  }
0x193: {  	[hbm:s21], [sflag:s13] =	dma.local [spmem:s16], $0x2800  }
0x194: {  	_ =	swait.ge [sflag:s15], $0x2800  }
0x195: {  	[sflag:s15] =	ssyncset.done $0x0  }
0x196: {  	[sflag:s15] =	ssyncadd.s32 $0xFFFFD800  }
0x197: {  	s19 =	sadd.s32 $0x1, s19  }
0x198: {  	p0 =	sne.s32 s19, s14  }
.Ltmp3:
0x199: {  	_ = 	snop;
	(pc) =	sbr.rel @p0 .LBB2_1-.Ltmp3, $1  }
0x19a: {  	_ =	sdelay $0x3  }
0x19b: {  	_ =	sfence.sel $0x180000  }
0x19c: {  	[bflag:$0x0] =	sbarrier.arrive $0xFFFF  }
0x19d: {  	p0 =	sne.s32 s1, $0x0;
	_ =	strace $0x90000047  }
0x19e: {  	s0 =	sadd.s32 @!p0 $0x100000, s0;
	[bflag:$0x2] =	sbarrier.arrive $0xFFFF  }
0x19f: {  	[sflag:s0] =	ssyncadd.tile.s32 @!p0 $0x1;
	_ =	shalt  }
.Lfunc_end2:
_tile_overlayer_lowered:
.L_overlay_start_2:
0x1a0: {  	(tag) =	ssettag $0x2  }
0x1a1: {  	s0 =	rddreg [dreg:$0x0];
	s2 =	stileid.u32  }
0x1a2: {  	s1 =	rddreg [dreg:$0x1];
	p0 =	sne.s32 s2, $0x0  }
0x1a3: {  	s3 =	rddreg [dreg:$0x2];
	[bflag:$0x3] =	sbarrier.arrive $0xFFFF;
	s2 =	simm.s32 @!p0 $0x1C02  }
0x1a4: {  	[timem:s3], [sflag:s2] =	dma.local @!p0 [hbm:s0], s1  }
0x1a5: {  	s0 =	simm.s32 @!p0 $0x2  }
0x1a6: {  	_ =	swait.ge @!p0 [sflag:s0], s1  }
0x1a7: {  	s1 =	ssub.s32 @!p0 $0x0, s1;
	[sflag:s0] =	ssyncset.done @!p0 $0x0  }
0x1a8: {  	[sflag:s0] =	ssyncadd.s32 @!p0 s1  }
0x1a9: {  	[bflag:$0x3] =	sbarrier.arrive $0xFFFF  }
0x1aa: {  	_ =	shalt  }

</sc_bundles>
